<compile_context>
chip_gen: v7x
topology: tpu7x:2x2x1
jax: 0.10.2.dev20260603
libtpu: 0.0.44.dev20260713+nightly
codegen_flags: <defaults>
</compile_context>

<pallas_src>
import functools

import jax
import jax.numpy as jnp
from jax import lax
from jax.experimental import pallas as pl
from jax.experimental.pallas import tpu as pltpu
import jax.experimental.pallas.tpu_sc as plsc

B = 16384
D = 32
L = 16
NC = 2
NS = 16
NW = NC * NS
BPW = B // NW


def _fm_body(uid_hbm, iid_hbm, uf_hbm, vf_hbm, ub_hbm, ib_hbm, gb_hbm,
             pred_hbm, cvr_hbm,
             uid_v, iid_v, urows, vrows, ubias_v, ibias_v, gb_v,
             pred_v, cvr_v, sem):
  wid = lax.axis_index("s") * NC + lax.axis_index("c")
  base = wid * BPW

  pltpu.sync_copy(uid_hbm.at[pl.ds(base, BPW)], uid_v)
  pltpu.sync_copy(iid_hbm.at[pl.ds(base, BPW)], iid_v)
  pltpu.sync_copy(gb_hbm, gb_v)

  cu = pltpu.async_copy(uf_hbm.at[uid_v], urows, sem)
  cv = pltpu.async_copy(vf_hbm.at[iid_v], vrows, sem)
  cub = pltpu.async_copy(ub_hbm.at[uid_v], ubias_v, sem)
  cib = pltpu.async_copy(ib_hbm.at[iid_v], ibias_v, sem)
  cu.wait()
  cv.wait()
  cub.wait()
  cib.wait()

  gb = gb_v[...]

  def group(g, carry):
    acc = ubias_v[pl.ds(g * L, L)] + ibias_v[pl.ds(g * L, L)] + gb
    rows = lax.broadcasted_iota(jnp.int32, (L,), 0) + g * L
    for d in range(D):
      cols = jnp.full((L,), d, jnp.int32)
      au = plsc.load_gather(urows, [rows, cols])
      av = plsc.load_gather(vrows, [rows, cols])
      acc = acc + au * av
    pred_v[pl.ds(g * L, L)] = acc
    cvr_v[pl.ds(g * L, L)] = 1.0 / (1.0 + jnp.exp(-acc))
    return carry

  lax.fori_loop(0, BPW // L, group, 0)

  pltpu.sync_copy(pred_v, pred_hbm.at[pl.ds(base, BPW)])
  pltpu.sync_copy(cvr_v, cvr_hbm.at[pl.ds(base, BPW)])


def kernel(user_id, item_id, user_factors, item_factors, user_bias,
           item_bias, global_bias):
  gb16 = jnp.broadcast_to(global_bias.astype(jnp.float32), (L,))
  mesh = plsc.VectorSubcoreMesh(core_axis_name="c", subcore_axis_name="s")

  fm = pl.kernel(
      _fm_body,
      out_type=(
          jax.ShapeDtypeStruct((B,), jnp.float32),
          jax.ShapeDtypeStruct((B,), jnp.float32),
      ),
      mesh=mesh,
      compiler_params=pltpu.CompilerParams(
          needs_layout_passes=False, use_tc_tiling_on_sc=False),
      scratch_types=[
          pltpu.VMEM((BPW,), jnp.int32),
          pltpu.VMEM((BPW,), jnp.int32),
          pltpu.VMEM((BPW, D), jnp.float32),
          pltpu.VMEM((BPW, D), jnp.float32),
          pltpu.VMEM((BPW,), jnp.float32),
          pltpu.VMEM((BPW,), jnp.float32),
          pltpu.VMEM((L,), jnp.float32),
          pltpu.VMEM((BPW,), jnp.float32),
          pltpu.VMEM((BPW,), jnp.float32),
          pltpu.SemaphoreType.DMA,
      ],
  )
  pred, cvr = fm(user_id.astype(jnp.int32), item_id.astype(jnp.int32),
                 user_factors, item_factors, user_bias, item_bias, gb16)
  return pred, cvr

# --- scband reference (transcript-rebuilt; emitter-appended) ---
"""Pipeline reference for scband-weight-fm-12506944766551 (READ-ONLY COPY).

The authoritative reference and input builder live on the scoring server;
editing this copy changes nothing except your own understanding.
"""

import jax, jax.numpy as jnp
import numpy as np

NUM_USERS = 1000000
NUM_ITEMS = 1000000
EMBED_DIM = 32
BATCH = 16384


def setup_inputs(seed: int = 0) -> dict:
    key = jax.random.key(seed)
    k1, k2, k3, k4, k5, k6, k7 = jax.random.split(key, 7)
    user_id = jax.random.randint(k1, (BATCH,), 0, NUM_USERS, dtype=jnp.int64 if jax.config.jax_enable_x64 else jnp.int32)
    item_id = jax.random.randint(k2, (BATCH,), 0, NUM_ITEMS, dtype=jnp.int64 if jax.config.jax_enable_x64 else jnp.int32)
    user_factors = jax.random.normal(k3, (NUM_USERS, EMBED_DIM), dtype=jnp.float32) * 0.3
    item_factors = jax.random.normal(k4, (NUM_ITEMS, EMBED_DIM), dtype=jnp.float32) * 0.3
    user_bias = jax.random.normal(k5, (NUM_USERS,), dtype=jnp.float32)
    item_bias = jax.random.normal(k6, (NUM_ITEMS,), dtype=jnp.float32)
    global_bias = jax.random.normal(k7, (1,), dtype=jnp.float32)
    return {
        "user_id": user_id,
        "item_id": item_id,
        "user_factors": user_factors,
        "item_factors": item_factors,
        "user_bias": user_bias,
        "item_bias": item_bias,
        "global_bias": global_bias,
    }


def reference(user_id, item_id, user_factors, item_factors, user_bias, item_bias, global_bias):
    # u = self.user_factors(user_id); v = self.item_factors(item_id)
    u = jnp.take(user_factors, user_id, axis=0)
    v = jnp.take(item_factors, item_id, axis=0)
    # pred = (u * v).sum(axis=1)
    pred = (u * v).sum(axis=1)
    # pred += user_bias[user_id] + item_bias[item_id] + global_bias
    pred = pred + jnp.take(user_bias, user_id) + jnp.take(item_bias, item_id) + global_bias
    cvr = jax.nn.sigmoid(pred)
    return (pred, cvr)

if __name__ == "__main__":
    import jax
    _d = setup_inputs()
    print(jax.jit(kernel)(*tuple(_d.values())))

</pallas_src>

<mosaic_0001>
#map = affine_map<(d0, d1) -> (0)>
#map1 = affine_map<(d0, d1) -> (0, 0)>
module attributes {stable_mosaic.version = 14 : i64} {
  func.func @_fm_body(%arg0: i32, %arg1: i32, %arg2: memref<16384xi32, #tpu.memory_space<hbm>>, %arg3: memref<16384xi32, #tpu.memory_space<hbm>>, %arg4: memref<1000000x32xf32, #tpu.memory_space<hbm>>, %arg5: memref<1000000x32xf32, #tpu.memory_space<hbm>>, %arg6: memref<1000000xf32, #tpu.memory_space<hbm>>, %arg7: memref<1000000xf32, #tpu.memory_space<hbm>>, %arg8: memref<16xf32, #tpu.memory_space<hbm>>, %arg9: memref<16384xf32, #tpu.memory_space<hbm>>, %arg10: memref<16384xf32, #tpu.memory_space<hbm>>, %arg11: memref<512xi32, #tpu.memory_space<vmem>>, %arg12: memref<512xi32, #tpu.memory_space<vmem>>, %arg13: memref<512x32xf32, #tpu.memory_space<vmem>>, %arg14: memref<512x32xf32, #tpu.memory_space<vmem>>, %arg15: memref<512xf32, #tpu.memory_space<vmem>>, %arg16: memref<512xf32, #tpu.memory_space<vmem>>, %arg17: memref<16xf32, #tpu.memory_space<vmem>>, %arg18: memref<512xf32, #tpu.memory_space<vmem>>, %arg19: memref<512xf32, #tpu.memory_space<vmem>>, %arg20: memref<!tpu.dma_semaphore, #tpu.memory_space<semaphore_mem>>) attributes {dimension_semantics = [#tpu.dimension_semantics<core_parallel>, #tpu.dimension_semantics<subcore_parallel>], iteration_bounds = array<i64: 2, 16>, scalar_prefetch = 0 : i64, scratch_operands = 10 : i64, tpu.core_type = #tpu.core_type<sc_vector_subcore>, window_params = [{transform_indices = #map}, {transform_indices = #map}, {transform_indices = #map1}, {transform_indices = #map1}, {transform_indices = #map}, {transform_indices = #map}, {transform_indices = #map}, {transform_indices = #map}, {transform_indices = #map}]} {
    %mul3A = arith.constant 2 : i32
    %mul3A_0 = arith.muli %arg1, %mul3A : i32
    %add3A = arith.addi %mul3A_0, %arg0 : i32
    %mul3A_1 = arith.constant 512 : i32
    %mul3A_2 = arith.muli %add3A, %mul3A_1 : i32
    "tpu.region"() ({
      %run_scoped3A = tpu.sem_alloc : memref<!tpu.dma_semaphore, #tpu.memory_space<semaphore_mem>>
      %dma_start3A_27 = tpu.memref_slice %arg2[%mul3A_2] : memref<16384xi32, #tpu.memory_space<hbm>> -> memref<512xi32, #tpu.memory_space<hbm>>
      %dma_start3A_28 = tpu.memref_slice %arg2[%mul3A_2] : memref<16384xi32, #tpu.memory_space<hbm>> -> memref<512xi32, #tpu.memory_space<hbm>>
      tpu.enqueue_dma source(%dma_start3A_28 : memref<512xi32, #tpu.memory_space<hbm>>) target(%arg11 : memref<512xi32, #tpu.memory_space<vmem>>) target_semaphore(%run_scoped3A : memref<!tpu.dma_semaphore, #tpu.memory_space<semaphore_mem>>)
      %dma_wait3A_29 = tpu.memref_slice %arg2[%mul3A_2] : memref<16384xi32, #tpu.memory_space<hbm>> -> memref<512xi32, #tpu.memory_space<hbm>>
      %dma_wait3A_30 = tpu.memref_slice %arg2[%mul3A_2] : memref<16384xi32, #tpu.memory_space<hbm>> -> memref<512xi32, #tpu.memory_space<hbm>>
      tpu.wait_dma2 semaphore(%run_scoped3A : memref<!tpu.dma_semaphore, #tpu.memory_space<semaphore_mem>>) src(%dma_wait3A_30 : memref<512xi32, #tpu.memory_space<hbm>>) dst(%arg11 : memref<512xi32, #tpu.memory_space<vmem>>)
      tpu.yield
    }) : () -> ()
    "tpu.region"() ({
      %run_scoped3A = tpu.sem_alloc : memref<!tpu.dma_semaphore, #tpu.memory_space<semaphore_mem>>
      %dma_start3A_27 = tpu.memref_slice %arg3[%mul3A_2] : memref<16384xi32, #tpu.memory_space<hbm>> -> memref<512xi32, #tpu.memory_space<hbm>>
      %dma_start3A_28 = tpu.memref_slice %arg3[%mul3A_2] : memref<16384xi32, #tpu.memory_space<hbm>> -> memref<512xi32, #tpu.memory_space<hbm>>
      tpu.enqueue_dma source(%dma_start3A_28 : memref<512xi32, #tpu.memory_space<hbm>>) target(%arg12 : memref<512xi32, #tpu.memory_space<vmem>>) target_semaphore(%run_scoped3A : memref<!tpu.dma_semaphore, #tpu.memory_space<semaphore_mem>>)
      %dma_wait3A_29 = tpu.memref_slice %arg3[%mul3A_2] : memref<16384xi32, #tpu.memory_space<hbm>> -> memref<512xi32, #tpu.memory_space<hbm>>
      %dma_wait3A_30 = tpu.memref_slice %arg3[%mul3A_2] : memref<16384xi32, #tpu.memory_space<hbm>> -> memref<512xi32, #tpu.memory_space<hbm>>
      tpu.wait_dma2 semaphore(%run_scoped3A : memref<!tpu.dma_semaphore, #tpu.memory_space<semaphore_mem>>) src(%dma_wait3A_30 : memref<512xi32, #tpu.memory_space<hbm>>) dst(%arg12 : memref<512xi32, #tpu.memory_space<vmem>>)
      tpu.yield
    }) : () -> ()
    "tpu.region"() ({
      %run_scoped3A = tpu.sem_alloc : memref<!tpu.dma_semaphore, #tpu.memory_space<semaphore_mem>>
      tpu.enqueue_dma source(%arg8 : memref<16xf32, #tpu.memory_space<hbm>>) target(%arg17 : memref<16xf32, #tpu.memory_space<vmem>>) target_semaphore(%run_scoped3A : memref<!tpu.dma_semaphore, #tpu.memory_space<semaphore_mem>>)
      tpu.wait_dma2 semaphore(%run_scoped3A : memref<!tpu.dma_semaphore, #tpu.memory_space<semaphore_mem>>) src(%arg8 : memref<16xf32, #tpu.memory_space<hbm>>) dst(%arg17 : memref<16xf32, #tpu.memory_space<vmem>>)
      tpu.yield
    }) : () -> ()
    %dma_start3A = arith.constant 0 : i32
    %dma_start3A_3 = arith.constant 0 : i32
    %dma_start3A_4 = tpu.memref_slice %arg4[%dma_start3A, %dma_start3A_3] : memref<1000000x32xf32, #tpu.memory_space<hbm>> -> memref<1000000x32xf32, #tpu.memory_space<hbm>>
    tpu.enqueue_indirect_dma source(%dma_start3A_4 : memref<1000000x32xf32, #tpu.memory_space<hbm>>) target(%arg13 : memref<512x32xf32, #tpu.memory_space<vmem>>) offsets(%arg11 : memref<512xi32, #tpu.memory_space<vmem>>) semaphore(%arg20 : memref<!tpu.dma_semaphore, #tpu.memory_space<semaphore_mem>>)
    %dma_start3A_5 = arith.constant 0 : i32
    %dma_start3A_6 = arith.constant 0 : i32
    %dma_start3A_7 = tpu.memref_slice %arg5[%dma_start3A_5, %dma_start3A_6] : memref<1000000x32xf32, #tpu.memory_space<hbm>> -> memref<1000000x32xf32, #tpu.memory_space<hbm>>
    tpu.enqueue_indirect_dma source(%dma_start3A_7 : memref<1000000x32xf32, #tpu.memory_space<hbm>>) target(%arg14 : memref<512x32xf32, #tpu.memory_space<vmem>>) offsets(%arg12 : memref<512xi32, #tpu.memory_space<vmem>>) semaphore(%arg20 : memref<!tpu.dma_semaphore, #tpu.memory_space<semaphore_mem>>)
    %dma_start3A_8 = arith.constant 0 : i32
    %dma_start3A_9 = tpu.memref_slice %arg6[%dma_start3A_8] : memref<1000000xf32, #tpu.memory_space<hbm>> -> memref<1000000xf32, #tpu.memory_space<hbm>>
    tpu.enqueue_indirect_dma source(%dma_start3A_9 : memref<1000000xf32, #tpu.memory_space<hbm>>) target(%arg15 : memref<512xf32, #tpu.memory_space<vmem>>) offsets(%arg11 : memref<512xi32, #tpu.memory_space<vmem>>) semaphore(%arg20 : memref<!tpu.dma_semaphore, #tpu.memory_space<semaphore_mem>>)
    %dma_start3A_10 = arith.constant 0 : i32
    %dma_start3A_11 = tpu.memref_slice %arg7[%dma_start3A_10] : memref<1000000xf32, #tpu.memory_space<hbm>> -> memref<1000000xf32, #tpu.memory_space<hbm>>
    tpu.enqueue_indirect_dma source(%dma_start3A_11 : memref<1000000xf32, #tpu.memory_space<hbm>>) target(%arg16 : memref<512xf32, #tpu.memory_space<vmem>>) offsets(%arg12 : memref<512xi32, #tpu.memory_space<vmem>>) semaphore(%arg20 : memref<!tpu.dma_semaphore, #tpu.memory_space<semaphore_mem>>)
    %dma_wait3A = arith.constant 0 : i32
    %dma_wait3A_12 = arith.constant 0 : i32
    %dma_wait3A_13 = tpu.memref_slice %arg4[%dma_wait3A, %dma_wait3A_12] : memref<1000000x32xf32, #tpu.memory_space<hbm>> -> memref<1000000x32xf32, #tpu.memory_space<hbm>>
    tpu.wait_indirect_dma semaphore(%arg20 : memref<!tpu.dma_semaphore, #tpu.memory_space<semaphore_mem>>) src(%dma_wait3A_13 : memref<1000000x32xf32, #tpu.memory_space<hbm>>) dst(%arg13 : memref<512x32xf32, #tpu.memory_space<vmem>>)
    %dma_wait3A_14 = arith.constant 0 : i32
    %dma_wait3A_15 = arith.constant 0 : i32
    %dma_wait3A_16 = tpu.memref_slice %arg5[%dma_wait3A_14, %dma_wait3A_15] : memref<1000000x32xf32, #tpu.memory_space<hbm>> -> memref<1000000x32xf32, #tpu.memory_space<hbm>>
    tpu.wait_indirect_dma semaphore(%arg20 : memref<!tpu.dma_semaphore, #tpu.memory_space<semaphore_mem>>) src(%dma_wait3A_16 : memref<1000000x32xf32, #tpu.memory_space<hbm>>) dst(%arg14 : memref<512x32xf32, #tpu.memory_space<vmem>>)
    %dma_wait3A_17 = arith.constant 0 : i32
    %dma_wait3A_18 = tpu.memref_slice %arg6[%dma_wait3A_17] : memref<1000000xf32, #tpu.memory_space<hbm>> -> memref<1000000xf32, #tpu.memory_space<hbm>>
    tpu.wait_indirect_dma semaphore(%arg20 : memref<!tpu.dma_semaphore, #tpu.memory_space<semaphore_mem>>) src(%dma_wait3A_18 : memref<1000000xf32, #tpu.memory_space<hbm>>) dst(%arg15 : memref<512xf32, #tpu.memory_space<vmem>>)
    %dma_wait3A_19 = arith.constant 0 : i32
    %dma_wait3A_20 = tpu.memref_slice %arg7[%dma_wait3A_19] : memref<1000000xf32, #tpu.memory_space<hbm>> -> memref<1000000xf32, #tpu.memory_space<hbm>>
    tpu.wait_indirect_dma semaphore(%arg20 : memref<!tpu.dma_semaphore, #tpu.memory_space<semaphore_mem>>) src(%dma_wait3A_20 : memref<1000000xf32, #tpu.memory_space<hbm>>) dst(%arg16 : memref<512xf32, #tpu.memory_space<vmem>>)
    %get3A = arith.constant 0 : index
    %get3A_21 = tpu.vector_load %arg17[%get3A] {strides = array<i32>} : memref<16xf32, #tpu.memory_space<vmem>>, vector<16xf32>,
    %scan3A = arith.constant 0 : i32
    %scan3A_22 = arith.constant 0 : i32
    %scan3A_23 = arith.constant 32 : i32
    %scan3A_24 = arith.addi %scan3A_22, %scan3A_23 : i32
    %scan3A_25 = arith.constant 1 : i32
    scf.for %scan3A_27 = %scan3A_22 to %scan3A_24 step %scan3A_25  : i32 {
      %mul3A_28 = arith.constant 16 : i32
      %mul3A_29 = arith.muli %scan3A_27, %mul3A_28 : i32
      %get3A_30 = arith.index_cast %mul3A_29 : i32 to index
      %get3A_31 = tpu.vector_load %arg15[%get3A_30] {strides = array<i32>} : memref<512xf32, #tpu.memory_space<vmem>>, vector<16xf32>,
      %mul3A_32 = arith.constant 16 : i32
      %mul3A_33 = arith.muli %scan3A_27, %mul3A_32 : i32
      %get3A_34 = arith.index_cast %mul3A_33 : i32 to index
      %get3A_35 = tpu.vector_load %arg16[%get3A_34] {strides = array<i32>} : memref<512xf32, #tpu.memory_space<vmem>>, vector<16xf32>,
      %add3A_36 = arith.addf %get3A_31, %get3A_35 : vector<16xf32>
      %add3A_37 = arith.addf %add3A_36, %get3A_21 : vector<16xf32>
      %iota3A = tpu.iota {dimensions = array<i32: 0>} : vector<16xi32>
      %mul3A_38 = arith.constant 16 : i32
      %mul3A_39 = arith.muli %scan3A_27, %mul3A_38 : i32
      %add3A_40 = vector.broadcast %mul3A_39 : i32 to vector<16xi32>
      %add3A_41 = arith.addi %iota3A, %add3A_40 : vector<16xi32>
      %broadcast_in_dim3A = arith.constant 0 : i32
      %broadcast_in_dim3A_42 = vector.broadcast %broadcast_in_dim3A : i32 to vector<16xi32>
      %gather3A = tpu.vector_load_idx %arg13[%add3A_41, %broadcast_in_dim3A_42] : memref<512x32xf32, #tpu.memory_space<vmem>>[vector<16xi32>, vector<16xi32>], vector<16xf32>,
      %gather3A_43 = tpu.vector_load_idx %arg14[%add3A_41, %broadcast_in_dim3A_42] : memref<512x32xf32, #tpu.memory_space<vmem>>[vector<16xi32>, vector<16xi32>], vector<16xf32>,
      %mul3A_44 = arith.mulf %gather3A, %gather3A_43 : vector<16xf32>
      %add3A_45 = arith.addf %add3A_37, %mul3A_44 : vector<16xf32>
      %broadcast_in_dim3A_46 = arith.constant 1 : i32
      %broadcast_in_dim3A_47 = vector.broadcast %broadcast_in_dim3A_46 : i32 to vector<16xi32>
      %gather3A_48 = tpu.vector_load_idx %arg13[%add3A_41, %broadcast_in_dim3A_47] : memref<512x32xf32, #tpu.memory_space<vmem>>[vector<16xi32>, vector<16xi32>], vector<16xf32>,
      %gather3A_49 = tpu.vector_load_idx %arg14[%add3A_41, %broadcast_in_dim3A_47] : memref<512x32xf32, #tpu.memory_space<vmem>>[vector<16xi32>, vector<16xi32>], vector<16xf32>,
      %mul3A_50 = arith.mulf %gather3A_48, %gather3A_49 : vector<16xf32>
      %add3A_51 = arith.addf %add3A_45, %mul3A_50 : vector<16xf32>
      %broadcast_in_dim3A_52 = arith.constant 2 : i32
      %broadcast_in_dim3A_53 = vector.broadcast %broadcast_in_dim3A_52 : i32 to vector<16xi32>
      %gather3A_54 = tpu.vector_load_idx %arg13[%add3A_41, %broadcast_in_dim3A_53] : memref<512x32xf32, #tpu.memory_space<vmem>>[vector<16xi32>, vector<16xi32>], vector<16xf32>,
      %gather3A_55 = tpu.vector_load_idx %arg14[%add3A_41, %broadcast_in_dim3A_53] : memref<512x32xf32, #tpu.memory_space<vmem>>[vector<16xi32>, vector<16xi32>], vector<16xf32>,
      %mul3A_56 = arith.mulf %gather3A_54, %gather3A_55 : vector<16xf32>
      %add3A_57 = arith.addf %add3A_51, %mul3A_56 : vector<16xf32>
      %broadcast_in_dim3A_58 = arith.constant 3 : i32
      %broadcast_in_dim3A_59 = vector.broadcast %broadcast_in_dim3A_58 : i32 to vector<16xi32>
      %gather3A_60 = tpu.vector_load_idx %arg13[%add3A_41, %broadcast_in_dim3A_59] : memref<512x32xf32, #tpu.memory_space<vmem>>[vector<16xi32>, vector<16xi32>], vector<16xf32>,
      %gather3A_61 = tpu.vector_load_idx %arg14[%add3A_41, %broadcast_in_dim3A_59] : memref<512x32xf32, #tpu.memory_space<vmem>>[vector<16xi32>, vector<16xi32>], vector<16xf32>,
      %mul3A_62 = arith.mulf %gather3A_60, %gather3A_61 : vector<16xf32>
      %add3A_63 = arith.addf %add3A_57, %mul3A_62 : vector<16xf32>
      %broadcast_in_dim3A_64 = arith.constant 4 : i32
      %broadcast_in_dim3A_65 = vector.broadcast %broadcast_in_dim3A_64 : i32 to vector<16xi32>
      %gather3A_66 = tpu.vector_load_idx %arg13[%add3A_41, %broadcast_in_dim3A_65] : memref<512x32xf32, #tpu.memory_space<vmem>>[vector<16xi32>, vector<16xi32>], vector<16xf32>,
      %gather3A_67 = tpu.vector_load_idx %arg14[%add3A_41, %broadcast_in_dim3A_65] : memref<512x32xf32, #tpu.memory_space<vmem>>[vector<16xi32>, vector<16xi32>], vector<16xf32>,
      %mul3A_68 = arith.mulf %gather3A_66, %gather3A_67 : vector<16xf32>
      %add3A_69 = arith.addf %add3A_63, %mul3A_68 : vector<16xf32>
      %broadcast_in_dim3A_70 = arith.constant 5 : i32
      %broadcast_in_dim3A_71 = vector.broadcast %broadcast_in_dim3A_70 : i32 to vector<16xi32>
      %gather3A_72 = tpu.vector_load_idx %arg13[%add3A_41, %broadcast_in_dim3A_71] : memref<512x32xf32, #tpu.memory_space<vmem>>[vector<16xi32>, vector<16xi32>], vector<16xf32>,
      %gather3A_73 = tpu.vector_load_idx %arg14[%add3A_41, %broadcast_in_dim3A_71] : memref<512x32xf32, #tpu.memory_space<vmem>>[vector<16xi32>, vector<16xi32>], vector<16xf32>,
      %mul3A_74 = arith.mulf %gather3A_72, %gather3A_73 : vector<16xf32>
      %add3A_75 = arith.addf %add3A_69, %mul3A_74 : vector<16xf32>
      %broadcast_in_dim3A_76 = arith.constant 6 : i32
      %broadcast_in_dim3A_77 = vector.broadcast %broadcast_in_dim3A_76 : i32 to vector<16xi32>
      %gather3A_78 = tpu.vector_load_idx %arg13[%add3A_41, %broadcast_in_dim3A_77] : memref<512x32xf32, #tpu.memory_space<vmem>>[vector<16xi32>, vector<16xi32>], vector<16xf32>,
      %gather3A_79 = tpu.vector_load_idx %arg14[%add3A_41, %broadcast_in_dim3A_77] : memref<512x32xf32, #tpu.memory_space<vmem>>[vector<16xi32>, vector<16xi32>], vector<16xf32>,
      %mul3A_80 = arith.mulf %gather3A_78, %gather3A_79 : vector<16xf32>
      %add3A_81 = arith.addf %add3A_75, %mul3A_80 : vector<16xf32>
      %broadcast_in_dim3A_82 = arith.constant 7 : i32
      %broadcast_in_dim3A_83 = vector.broadcast %broadcast_in_dim3A_82 : i32 to vector<16xi32>
      %gather3A_84 = tpu.vector_load_idx %arg13[%add3A_41, %broadcast_in_dim3A_83] : memref<512x32xf32, #tpu.memory_space<vmem>>[vector<16xi32>, vector<16xi32>], vector<16xf32>,
      %gather3A_85 = tpu.vector_load_idx %arg14[%add3A_41, %broadcast_in_dim3A_83] : memref<512x32xf32, #tpu.memory_space<vmem>>[vector<16xi32>, vector<16xi32>], vector<16xf32>,
      %mul3A_86 = arith.mulf %gather3A_84, %gather3A_85 : vector<16xf32>
      %add3A_87 = arith.addf %add3A_81, %mul3A_86 : vector<16xf32>
      %broadcast_in_dim3A_88 = arith.constant 8 : i32
      %broadcast_in_dim3A_89 = vector.broadcast %broadcast_in_dim3A_88 : i32 to vector<16xi32>
      %gather3A_90 = tpu.vector_load_idx %arg13[%add3A_41, %broadcast_in_dim3A_89] : memref<512x32xf32, #tpu.memory_space<vmem>>[vector<16xi32>, vector<16xi32>], vector<16xf32>,
      %gather3A_91 = tpu.vector_load_idx %arg14[%add3A_41, %broadcast_in_dim3A_89] : memref<512x32xf32, #tpu.memory_space<vmem>>[vector<16xi32>, vector<16xi32>], vector<16xf32>,
      %mul3A_92 = arith.mulf %gather3A_90, %gather3A_91 : vector<16xf32>
      %add3A_93 = arith.addf %add3A_87, %mul3A_92 : vector<16xf32>
      %broadcast_in_dim3A_94 = arith.constant 9 : i32
      %broadcast_in_dim3A_95 = vector.broadcast %broadcast_in_dim3A_94 : i32 to vector<16xi32>
      %gather3A_96 = tpu.vector_load_idx %arg13[%add3A_41, %broadcast_in_dim3A_95] : memref<512x32xf32, #tpu.memory_space<vmem>>[vector<16xi32>, vector<16xi32>], vector<16xf32>,
      %gather3A_97 = tpu.vector_load_idx %arg14[%add3A_41, %broadcast_in_dim3A_95] : memref<512x32xf32, #tpu.memory_space<vmem>>[vector<16xi32>, vector<16xi32>], vector<16xf32>,
      %mul3A_98 = arith.mulf %gather3A_96, %gather3A_97 : vector<16xf32>
      %add3A_99 = arith.addf %add3A_93, %mul3A_98 : vector<16xf32>
      %broadcast_in_dim3A_100 = arith.constant 10 : i32
      %broadcast_in_dim3A_101 = vector.broadcast %broadcast_in_dim3A_100 : i32 to vector<16xi32>
      %gather3A_102 = tpu.vector_load_idx %arg13[%add3A_41, %broadcast_in_dim3A_101] : memref<512x32xf32, #tpu.memory_space<vmem>>[vector<16xi32>, vector<16xi32>], vector<16xf32>,
      %gather3A_103 = tpu.vector_load_idx %arg14[%add3A_41, %broadcast_in_dim3A_101] : memref<512x32xf32, #tpu.memory_space<vmem>>[vector<16xi32>, vector<16xi32>], vector<16xf32>,
      %mul3A_104 = arith.mulf %gather3A_102, %gather3A_103 : vector<16xf32>
      %add3A_105 = arith.addf %add3A_99, %mul3A_104 : vector<16xf32>
      %broadcast_in_dim3A_106 = arith.constant 11 : i32
      %broadcast_in_dim3A_107 = vector.broadcast %broadcast_in_dim3A_106 : i32 to vector<16xi32>
      %gather3A_108 = tpu.vector_load_idx %arg13[%add3A_41, %broadcast_in_dim3A_107] : memref<512x32xf32, #tpu.memory_space<vmem>>[vector<16xi32>, vector<16xi32>], vector<16xf32>,
      %gather3A_109 = tpu.vector_load_idx %arg14[%add3A_41, %broadcast_in_dim3A_107] : memref<512x32xf32, #tpu.memory_space<vmem>>[vector<16xi32>, vector<16xi32>], vector<16xf32>,
      %mul3A_110 = arith.mulf %gather3A_108, %gather3A_109 : vector<16xf32>
      %add3A_111 = arith.addf %add3A_105, %mul3A_110 : vector<16xf32>
      %broadcast_in_dim3A_112 = arith.constant 12 : i32
      %broadcast_in_dim3A_113 = vector.broadcast %broadcast_in_dim3A_112 : i32 to vector<16xi32>
      %gather3A_114 = tpu.vector_load_idx %arg13[%add3A_41, %broadcast_in_dim3A_113] : memref<512x32xf32, #tpu.memory_space<vmem>>[vector<16xi32>, vector<16xi32>], vector<16xf32>,
      %gather3A_115 = tpu.vector_load_idx %arg14[%add3A_41, %broadcast_in_dim3A_113] : memref<512x32xf32, #tpu.memory_space<vmem>>[vector<16xi32>, vector<16xi32>], vector<16xf32>,
      %mul3A_116 = arith.mulf %gather3A_114, %gather3A_115 : vector<16xf32>
      %add3A_117 = arith.addf %add3A_111, %mul3A_116 : vector<16xf32>
      %broadcast_in_dim3A_118 = arith.constant 13 : i32
      %broadcast_in_dim3A_119 = vector.broadcast %broadcast_in_dim3A_118 : i32 to vector<16xi32>
      %gather3A_120 = tpu.vector_load_idx %arg13[%add3A_41, %broadcast_in_dim3A_119] : memref<512x32xf32, #tpu.memory_space<vmem>>[vector<16xi32>, vector<16xi32>], vector<16xf32>,
      %gather3A_121 = tpu.vector_load_idx %arg14[%add3A_41, %broadcast_in_dim3A_119] : memref<512x32xf32, #tpu.memory_space<vmem>>[vector<16xi32>, vector<16xi32>], vector<16xf32>,
      %mul3A_122 = arith.mulf %gather3A_120, %gather3A_121 : vector<16xf32>
      %add3A_123 = arith.addf %add3A_117, %mul3A_122 : vector<16xf32>
      %broadcast_in_dim3A_124 = arith.constant 14 : i32
      %broadcast_in_dim3A_125 = vector.broadcast %broadcast_in_dim3A_124 : i32 to vector<16xi32>
      %gather3A_126 = tpu.vector_load_idx %arg13[%add3A_41, %broadcast_in_dim3A_125] : memref<512x32xf32, #tpu.memory_space<vmem>>[vector<16xi32>, vector<16xi32>], vector<16xf32>,
      %gather3A_127 = tpu.vector_load_idx %arg14[%add3A_41, %broadcast_in_dim3A_125] : memref<512x32xf32, #tpu.memory_space<vmem>>[vector<16xi32>, vector<16xi32>], vector<16xf32>,
      %mul3A_128 = arith.mulf %gather3A_126, %gather3A_127 : vector<16xf32>
      %add3A_129 = arith.addf %add3A_123, %mul3A_128 : vector<16xf32>
      %broadcast_in_dim3A_130 = arith.constant 15 : i32
      %broadcast_in_dim3A_131 = vector.broadcast %broadcast_in_dim3A_130 : i32 to vector<16xi32>
      %gather3A_132 = tpu.vector_load_idx %arg13[%add3A_41, %broadcast_in_dim3A_131] : memref<512x32xf32, #tpu.memory_space<vmem>>[vector<16xi32>, vector<16xi32>], vector<16xf32>,
      %gather3A_133 = tpu.vector_load_idx %arg14[%add3A_41, %broadcast_in_dim3A_131] : memref<512x32xf32, #tpu.memory_space<vmem>>[vector<16xi32>, vector<16xi32>], vector<16xf32>,
      %mul3A_134 = arith.mulf %gather3A_132, %gather3A_133 : vector<16xf32>
      %add3A_135 = arith.addf %add3A_129, %mul3A_134 : vector<16xf32>
      %broadcast_in_dim3A_136 = arith.constant 16 : i32
      %broadcast_in_dim3A_137 = vector.broadcast %broadcast_in_dim3A_136 : i32 to vector<16xi32>
      %gather3A_138 = tpu.vector_load_idx %arg13[%add3A_41, %broadcast_in_dim3A_137] : memref<512x32xf32, #tpu.memory_space<vmem>>[vector<16xi32>, vector<16xi32>], vector<16xf32>,
      %gather3A_139 = tpu.vector_load_idx %arg14[%add3A_41, %broadcast_in_dim3A_137] : memref<512x32xf32, #tpu.memory_space<vmem>>[vector<16xi32>, vector<16xi32>], vector<16xf32>,
      %mul3A_140 = arith.mulf %gather3A_138, %gather3A_139 : vector<16xf32>
      %add3A_141 = arith.addf %add3A_135, %mul3A_140 : vector<16xf32>
      %broadcast_in_dim3A_142 = arith.constant 17 : i32
      %broadcast_in_dim3A_143 = vector.broadcast %broadcast_in_dim3A_142 : i32 to vector<16xi32>
      %gather3A_144 = tpu.vector_load_idx %arg13[%add3A_41, %broadcast_in_dim3A_143] : memref<512x32xf32, #tpu.memory_space<vmem>>[vector<16xi32>, vector<16xi32>], vector<16xf32>,
      %gather3A_145 = tpu.vector_load_idx %arg14[%add3A_41, %broadcast_in_dim3A_143] : memref<512x32xf32, #tpu.memory_space<vmem>>[vector<16xi32>, vector<16xi32>], vector<16xf32>,
      %mul3A_146 = arith.mulf %gather3A_144, %gather3A_145 : vector<16xf32>
      %add3A_147 = arith.addf %add3A_141, %mul3A_146 : vector<16xf32>
      %broadcast_in_dim3A_148 = arith.constant 18 : i32
      %broadcast_in_dim3A_149 = vector.broadcast %broadcast_in_dim3A_148 : i32 to vector<16xi32>
      %gather3A_150 = tpu.vector_load_idx %arg13[%add3A_41, %broadcast_in_dim3A_149] : memref<512x32xf32, #tpu.memory_space<vmem>>[vector<16xi32>, vector<16xi32>], vector<16xf32>,
      %gather3A_151 = tpu.vector_load_idx %arg14[%add3A_41, %broadcast_in_dim3A_149] : memref<512x32xf32, #tpu.memory_space<vmem>>[vector<16xi32>, vector<16xi32>], vector<16xf32>,
      %mul3A_152 = arith.mulf %gather3A_150, %gather3A_151 : vector<16xf32>
      %add3A_153 = arith.addf %add3A_147, %mul3A_152 : vector<16xf32>
      %broadcast_in_dim3A_154 = arith.constant 19 : i32
      %broadcast_in_dim3A_155 = vector.broadcast %broadcast_in_dim3A_154 : i32 to vector<16xi32>
      %gather3A_156 = tpu.vector_load_idx %arg13[%add3A_41, %broadcast_in_dim3A_155] : memref<512x32xf32, #tpu.memory_space<vmem>>[vector<16xi32>, vector<16xi32>], vector<16xf32>,
      %gather3A_157 = tpu.vector_load_idx %arg14[%add3A_41, %broadcast_in_dim3A_155] : memref<512x32xf32, #tpu.memory_space<vmem>>[vector<16xi32>, vector<16xi32>], vector<16xf32>,
      %mul3A_158 = arith.mulf %gather3A_156, %gather3A_157 : vector<16xf32>
      %add3A_159 = arith.addf %add3A_153, %mul3A_158 : vector<16xf32>
      %broadcast_in_dim3A_160 = arith.constant 20 : i32
      %broadcast_in_dim3A_161 = vector.broadcast %broadcast_in_dim3A_160 : i32 to vector<16xi32>
      %gather3A_162 = tpu.vector_load_idx %arg13[%add3A_41, %broadcast_in_dim3A_161] : memref<512x32xf32, #tpu.memory_space<vmem>>[vector<16xi32>, vector<16xi32>], vector<16xf32>,
      %gather3A_163 = tpu.vector_load_idx %arg14[%add3A_41, %broadcast_in_dim3A_161] : memref<512x32xf32, #tpu.memory_space<vmem>>[vector<16xi32>, vector<16xi32>], vector<16xf32>,
      %mul3A_164 = arith.mulf %gather3A_162, %gather3A_163 : vector<16xf32>
      %add3A_165 = arith.addf %add3A_159, %mul3A_164 : vector<16xf32>
      %broadcast_in_dim3A_166 = arith.constant 21 : i32
      %broadcast_in_dim3A_167 = vector.broadcast %broadcast_in_dim3A_166 : i32 to vector<16xi32>
      %gather3A_168 = tpu.vector_load_idx %arg13[%add3A_41, %broadcast_in_dim3A_167] : memref<512x32xf32, #tpu.memory_space<vmem>>[vector<16xi32>, vector<16xi32>], vector<16xf32>,
      %gather3A_169 = tpu.vector_load_idx %arg14[%add3A_41, %broadcast_in_dim3A_167] : memref<512x32xf32, #tpu.memory_space<vmem>>[vector<16xi32>, vector<16xi32>], vector<16xf32>,
      %mul3A_170 = arith.mulf %gather3A_168, %gather3A_169 : vector<16xf32>
      %add3A_171 = arith.addf %add3A_165, %mul3A_170 : vector<16xf32>
      %broadcast_in_dim3A_172 = arith.constant 22 : i32
      %broadcast_in_dim3A_173 = vector.broadcast %broadcast_in_dim3A_172 : i32 to vector<16xi32>
      %gather3A_174 = tpu.vector_load_idx %arg13[%add3A_41, %broadcast_in_dim3A_173] : memref<512x32xf32, #tpu.memory_space<vmem>>[vector<16xi32>, vector<16xi32>], vector<16xf32>,
      %gather3A_175 = tpu.vector_load_idx %arg14[%add3A_41, %broadcast_in_dim3A_173] : memref<512x32xf32, #tpu.memory_space<vmem>>[vector<16xi32>, vector<16xi32>], vector<16xf32>,
      %mul3A_176 = arith.mulf %gather3A_174, %gather3A_175 : vector<16xf32>
      %add3A_177 = arith.addf %add3A_171, %mul3A_176 : vector<16xf32>
      %broadcast_in_dim3A_178 = arith.constant 23 : i32
      %broadcast_in_dim3A_179 = vector.broadcast %broadcast_in_dim3A_178 : i32 to vector<16xi32>
      %gather3A_180 = tpu.vector_load_idx %arg13[%add3A_41, %broadcast_in_dim3A_179] : memref<512x32xf32, #tpu.memory_space<vmem>>[vector<16xi32>, vector<16xi32>], vector<16xf32>,
      %gather3A_181 = tpu.vector_load_idx %arg14[%add3A_41, %broadcast_in_dim3A_179] : memref<512x32xf32, #tpu.memory_space<vmem>>[vector<16xi32>, vector<16xi32>], vector<16xf32>,
      %mul3A_182 = arith.mulf %gather3A_180, %gather3A_181 : vector<16xf32>
      %add3A_183 = arith.addf %add3A_177, %mul3A_182 : vector<16xf32>
      %broadcast_in_dim3A_184 = arith.constant 24 : i32
      %broadcast_in_dim3A_185 = vector.broadcast %broadcast_in_dim3A_184 : i32 to vector<16xi32>
      %gather3A_186 = tpu.vector_load_idx %arg13[%add3A_41, %broadcast_in_dim3A_185] : memref<512x32xf32, #tpu.memory_space<vmem>>[vector<16xi32>, vector<16xi32>], vector<16xf32>,
      %gather3A_187 = tpu.vector_load_idx %arg14[%add3A_41, %broadcast_in_dim3A_185] : memref<512x32xf32, #tpu.memory_space<vmem>>[vector<16xi32>, vector<16xi32>], vector<16xf32>,
      %mul3A_188 = arith.mulf %gather3A_186, %gather3A_187 : vector<16xf32>
      %add3A_189 = arith.addf %add3A_183, %mul3A_188 : vector<16xf32>
      %broadcast_in_dim3A_190 = arith.constant 25 : i32
      %broadcast_in_dim3A_191 = vector.broadcast %broadcast_in_dim3A_190 : i32 to vector<16xi32>
      %gather3A_192 = tpu.vector_load_idx %arg13[%add3A_41, %broadcast_in_dim3A_191] : memref<512x32xf32, #tpu.memory_space<vmem>>[vector<16xi32>, vector<16xi32>], vector<16xf32>,
      %gather3A_193 = tpu.vector_load_idx %arg14[%add3A_41, %broadcast_in_dim3A_191] : memref<512x32xf32, #tpu.memory_space<vmem>>[vector<16xi32>, vector<16xi32>], vector<16xf32>,
      %mul3A_194 = arith.mulf %gather3A_192, %gather3A_193 : vector<16xf32>
      %add3A_195 = arith.addf %add3A_189, %mul3A_194 : vector<16xf32>
      %broadcast_in_dim3A_196 = arith.constant 26 : i32
      %broadcast_in_dim3A_197 = vector.broadcast %broadcast_in_dim3A_196 : i32 to vector<16xi32>
      %gather3A_198 = tpu.vector_load_idx %arg13[%add3A_41, %broadcast_in_dim3A_197] : memref<512x32xf32, #tpu.memory_space<vmem>>[vector<16xi32>, vector<16xi32>], vector<16xf32>,
      %gather3A_199 = tpu.vector_load_idx %arg14[%add3A_41, %broadcast_in_dim3A_197] : memref<512x32xf32, #tpu.memory_space<vmem>>[vector<16xi32>, vector<16xi32>], vector<16xf32>,
      %mul3A_200 = arith.mulf %gather3A_198, %gather3A_199 : vector<16xf32>
      %add3A_201 = arith.addf %add3A_195, %mul3A_200 : vector<16xf32>
      %broadcast_in_dim3A_202 = arith.constant 27 : i32
      %broadcast_in_dim3A_203 = vector.broadcast %broadcast_in_dim3A_202 : i32 to vector<16xi32>
      %gather3A_204 = tpu.vector_load_idx %arg13[%add3A_41, %broadcast_in_dim3A_203] : memref<512x32xf32, #tpu.memory_space<vmem>>[vector<16xi32>, vector<16xi32>], vector<16xf32>,
      %gather3A_205 = tpu.vector_load_idx %arg14[%add3A_41, %broadcast_in_dim3A_203] : memref<512x32xf32, #tpu.memory_space<vmem>>[vector<16xi32>, vector<16xi32>], vector<16xf32>,
      %mul3A_206 = arith.mulf %gather3A_204, %gather3A_205 : vector<16xf32>
      %add3A_207 = arith.addf %add3A_201, %mul3A_206 : vector<16xf32>
      %broadcast_in_dim3A_208 = arith.constant 28 : i32
      %broadcast_in_dim3A_209 = vector.broadcast %broadcast_in_dim3A_208 : i32 to vector<16xi32>
      %gather3A_210 = tpu.vector_load_idx %arg13[%add3A_41, %broadcast_in_dim3A_209] : memref<512x32xf32, #tpu.memory_space<vmem>>[vector<16xi32>, vector<16xi32>], vector<16xf32>,
      %gather3A_211 = tpu.vector_load_idx %arg14[%add3A_41, %broadcast_in_dim3A_209] : memref<512x32xf32, #tpu.memory_space<vmem>>[vector<16xi32>, vector<16xi32>], vector<16xf32>,
      %mul3A_212 = arith.mulf %gather3A_210, %gather3A_211 : vector<16xf32>
      %add3A_213 = arith.addf %add3A_207, %mul3A_212 : vector<16xf32>
      %broadcast_in_dim3A_214 = arith.constant 29 : i32
      %broadcast_in_dim3A_215 = vector.broadcast %broadcast_in_dim3A_214 : i32 to vector<16xi32>
      %gather3A_216 = tpu.vector_load_idx %arg13[%add3A_41, %broadcast_in_dim3A_215] : memref<512x32xf32, #tpu.memory_space<vmem>>[vector<16xi32>, vector<16xi32>], vector<16xf32>,
      %gather3A_217 = tpu.vector_load_idx %arg14[%add3A_41, %broadcast_in_dim3A_215] : memref<512x32xf32, #tpu.memory_space<vmem>>[vector<16xi32>, vector<16xi32>], vector<16xf32>,
      %mul3A_218 = arith.mulf %gather3A_216, %gather3A_217 : vector<16xf32>
      %add3A_219 = arith.addf %add3A_213, %mul3A_218 : vector<16xf32>
      %broadcast_in_dim3A_220 = arith.constant 30 : i32
      %broadcast_in_dim3A_221 = vector.broadcast %broadcast_in_dim3A_220 : i32 to vector<16xi32>
      %gather3A_222 = tpu.vector_load_idx %arg13[%add3A_41, %broadcast_in_dim3A_221] : memref<512x32xf32, #tpu.memory_space<vmem>>[vector<16xi32>, vector<16xi32>], vector<16xf32>,
      %gather3A_223 = tpu.vector_load_idx %arg14[%add3A_41, %broadcast_in_dim3A_221] : memref<512x32xf32, #tpu.memory_space<vmem>>[vector<16xi32>, vector<16xi32>], vector<16xf32>,
      %mul3A_224 = arith.mulf %gather3A_222, %gather3A_223 : vector<16xf32>
      %add3A_225 = arith.addf %add3A_219, %mul3A_224 : vector<16xf32>
      %broadcast_in_dim3A_226 = arith.constant 31 : i32
      %broadcast_in_dim3A_227 = vector.broadcast %broadcast_in_dim3A_226 : i32 to vector<16xi32>
      %gather3A_228 = tpu.vector_load_idx %arg13[%add3A_41, %broadcast_in_dim3A_227] : memref<512x32xf32, #tpu.memory_space<vmem>>[vector<16xi32>, vector<16xi32>], vector<16xf32>,
      %gather3A_229 = tpu.vector_load_idx %arg14[%add3A_41, %broadcast_in_dim3A_227] : memref<512x32xf32, #tpu.memory_space<vmem>>[vector<16xi32>, vector<16xi32>], vector<16xf32>,
      %mul3A_230 = arith.mulf %gather3A_228, %gather3A_229 : vector<16xf32>
      %add3A_231 = arith.addf %add3A_225, %mul3A_230 : vector<16xf32>
      %mul3A_232 = arith.constant 16 : i32
      %mul3A_233 = arith.muli %scan3A_27, %mul3A_232 : i32
      %swap3A = arith.index_cast %mul3A_233 : i32 to index
      %swap3A_234 = tpu.vector_load %arg18[%swap3A] {strides = array<i32>} : memref<512xf32, #tpu.memory_space<vmem>>, vector<16xf32>,
      tpu.vector_store %arg18[%swap3A], %add3A_231 {strides = array<i32>} : memref<512xf32, #tpu.memory_space<vmem>>, vector<16xf32>,
      %neg3A = arith.constant 0.000000e+00 : f32
      %neg3A_235 = vector.broadcast %neg3A : f32 to vector<16xf32>
      %neg3A_236 = arith.subf %neg3A_235, %add3A_231 : vector<16xf32>
      %exp3A = math.exp %neg3A_236 : vector<16xf32>
      %add3A_237 = arith.constant 1.000000e+00 : f32
      %add3A_238 = vector.broadcast %add3A_237 : f32 to vector<16xf32>
      %add3A_239 = arith.addf %add3A_238, %exp3A : vector<16xf32>
      %div3A = arith.constant 1.000000e+00 : f32
      %div3A_240 = vector.broadcast %div3A : f32 to vector<16xf32>
      %div3A_241 = arith.divf %div3A_240, %add3A_239 : vector<16xf32>
      %mul3A_242 = arith.constant 16 : i32
      %mul3A_243 = arith.muli %scan3A_27, %mul3A_242 : i32
      %swap3A_244 = arith.index_cast %mul3A_243 : i32 to index
      %swap3A_245 = tpu.vector_load %arg19[%swap3A_244] {strides = array<i32>} : memref<512xf32, #tpu.memory_space<vmem>>, vector<16xf32>,
      tpu.vector_store %arg19[%swap3A_244], %div3A_241 {strides = array<i32>} : memref<512xf32, #tpu.memory_space<vmem>>, vector<16xf32>,
    }
    %scan3A_26 = arith.constant 32 : i32
    "tpu.region"() ({
      %run_scoped3A = tpu.sem_alloc : memref<!tpu.dma_semaphore, #tpu.memory_space<semaphore_mem>>
      %dma_start3A_27 = tpu.memref_slice %arg9[%mul3A_2] : memref<16384xf32, #tpu.memory_space<hbm>> -> memref<512xf32, #tpu.memory_space<hbm>>
      %dma_start3A_28 = tpu.memref_slice %arg9[%mul3A_2] : memref<16384xf32, #tpu.memory_space<hbm>> -> memref<512xf32, #tpu.memory_space<hbm>>
      tpu.enqueue_dma source(%arg18 : memref<512xf32, #tpu.memory_space<vmem>>) target(%dma_start3A_28 : memref<512xf32, #tpu.memory_space<hbm>>) target_semaphore(%run_scoped3A : memref<!tpu.dma_semaphore, #tpu.memory_space<semaphore_mem>>)
      %dma_wait3A_29 = tpu.memref_slice %arg9[%mul3A_2] : memref<16384xf32, #tpu.memory_space<hbm>> -> memref<512xf32, #tpu.memory_space<hbm>>
      %dma_wait3A_30 = tpu.memref_slice %arg9[%mul3A_2] : memref<16384xf32, #tpu.memory_space<hbm>> -> memref<512xf32, #tpu.memory_space<hbm>>
      tpu.wait_dma2 semaphore(%run_scoped3A : memref<!tpu.dma_semaphore, #tpu.memory_space<semaphore_mem>>) src(%arg18 : memref<512xf32, #tpu.memory_space<vmem>>) dst(%dma_wait3A_30 : memref<512xf32, #tpu.memory_space<hbm>>)
      tpu.yield
    }) : () -> ()
    "tpu.region"() ({
      %run_scoped3A = tpu.sem_alloc : memref<!tpu.dma_semaphore, #tpu.memory_space<semaphore_mem>>
      %dma_start3A_27 = tpu.memref_slice %arg10[%mul3A_2] : memref<16384xf32, #tpu.memory_space<hbm>> -> memref<512xf32, #tpu.memory_space<hbm>>
      %dma_start3A_28 = tpu.memref_slice %arg10[%mul3A_2] : memref<16384xf32, #tpu.memory_space<hbm>> -> memref<512xf32, #tpu.memory_space<hbm>>
      tpu.enqueue_dma source(%arg19 : memref<512xf32, #tpu.memory_space<vmem>>) target(%dma_start3A_28 : memref<512xf32, #tpu.memory_space<hbm>>) target_semaphore(%run_scoped3A : memref<!tpu.dma_semaphore, #tpu.memory_space<semaphore_mem>>)
      %dma_wait3A_29 = tpu.memref_slice %arg10[%mul3A_2] : memref<16384xf32, #tpu.memory_space<hbm>> -> memref<512xf32, #tpu.memory_space<hbm>>
      %dma_wait3A_30 = tpu.memref_slice %arg10[%mul3A_2] : memref<16384xf32, #tpu.memory_space<hbm>> -> memref<512xf32, #tpu.memory_space<hbm>>
      tpu.wait_dma2 semaphore(%run_scoped3A : memref<!tpu.dma_semaphore, #tpu.memory_space<semaphore_mem>>) src(%arg19 : memref<512xf32, #tpu.memory_space<vmem>>) dst(%dma_wait3A_30 : memref<512xf32, #tpu.memory_space<hbm>>)
      tpu.yield
    }) : () -> ()
    return
  }
}

</mosaic_0001>

<sc_bundles>
// kernel: kernel.3.cloned.1.call-start
scs
__scs_entry_jumppad:
0x0: {  	(pc) =	sbr.rel $0x88, $3  }
0x1: {  	(tag) =	ssettag $0x0;
	lr =	simm.s32 $0x1  }
0x2: {  	[smem:$0x3F9A] =	sst lr;
	_ =	strace $0xD0000000  }
0x3: {  	_ = 	snop  }
0x4: {  	_ = 	snop  }
0x5: {  	_ = 	snop  }
0x6: {  	_ = 	snop  }
0x7: {  	_ = 	snop  }
__scs_overlays_trampoline_lowered:
0x8: {  	[smem:$0x3FA9] =	sst s0  }
0x9: {  	[smem:$0x3FAA] =	sst s1  }
0xa: {  	[smem:$0x3FAB] =	sst s2  }
0xb: {  	[smem:$0x3FAC] =	sst s3  }
0xc: {  	[smem:$0x3FAD] =	sst s4  }
0xd: {  	[smem:$0x3FAE] =	sst s5  }
0xe: {  	[smem:$0x3FAF] =	sst s6  }
0xf: {  	[smem:$0x3FB0] =	sst s7  }
0x10: {  	[smem:$0x3FB1] =	sst s8  }
0x11: {  	[smem:$0x3FB2] =	sst s9;
	s0 =	simm.s32 @!p0 $0x0  }
0x12: {  	s1 =	sld [smem:$0x3F98];
	s0 =	simm.s32 @p0 $0x1  }
0x13: {  	[smem:$0x3FB3] =	sst s0;
	s0 =	simm.s32 @!p1 $0x0  }
0x14: {  	s2 =	sld [smem:$0x3F97];
	s0 =	simm.s32 @p1 $0x1  }
0x15: {  	[smem:$0x3FB4] =	sst s0;
	s0 =	simm.s32 @!p2 $0x0  }
0x16: {  	s3 =	sld [smem:$0x3FDB];
	s0 =	simm.s32 @p2 $0x1  }
0x17: {  	s4 =	simm.s32 $0x1BF5;
	[smem:$0x3FB6] =	sst s0  }
0x18: {  	s0 =	sld [smem:$0x3F99];
	_ =	swait.ge [sflag:s4], $0x0  }
0x19: {  	s7 =	sld [smem:$0x3F9A]  }
0x1a: {  	s8 =	sadd.s32 $0xFFFFE003, lr  }
0x1b: {  	s9 =	sadd.s32 $0xFFFFFEF7, lr;
	s5 =	simm.s32 $0xFFFFFFFF;
	p2 =	slt.u32 s8, $0xFFFFF086  }
0x1c: {  	p1 =	slt.u32 s9, $0xF7A;
	s5 =	simm.s32 @!p2 $0x0  }
0x1d: {  	s5 =	simm.s32 @p1 $0x1;
	p0 =	seq.s32 s7, s2  }
0x1e: {  	s7 =	smul.u32 @!p0 $0xF7A, s2;
	p2 =	seq.s32 @!p0 s5, $0x0  }
0x1f: {  	s9 =	smul.u32 $0xF7A, s1;
	s8 =	simm.s32 @!p0 $0x1BF5;
	p2 =	por !p2, p0  }
0x20: {  	[sflag:s8] =	ssyncset.s32 @!p0 $0xFFFFF086;
	s6 =	sadd.s32 @!p0 s3, s7;
	s7 =	simm.s32 @!p0 $0x108  }
0x21: {  	s3 =	sadd.s32 s3, s9;
	s6 =	sadd.s32 @!p0 $0x88, s6;
	s7 =	simm.s32 @p2 $0x1082  }
0x22: {  	[simem:s7], [sflag:s8] =	dma.local @!p0 [hbm:s6], $0xF7A  }
0x23: {  	s9 =	sor.u32 $0xD0000000, s2;
	s6 =	simm.s32 $0x108;
	_ =	swait.ge @!p0 [sflag:s8], $0x0  }
0x24: {  	s3 =	sadd.s32 $0x88, s3;
	s6 =	simm.s32 @!p1 $0x1082;
	[sflag:s4] =	ssyncset.s32 $0xFFFFF086  }
0x25: {  	[simem:s6], [sflag:s4] =	dma.local [hbm:s3], $0xF7A  }
0x26: {  	[smem:$0x3F9A] =	sst s1;
	(tag) =	ssettag s2;
	_ =	strace s9  }
0x27: {  	s1 =	sld [smem:$0x3FAA]  }
0x28: {  	s2 =	sld [smem:$0x3FAB]  }
0x29: {  	s4 =	sld [smem:$0x3FAD]  }
0x2a: {  	p0 =	seq.s32 s5, $0x0;
	s5 =	sld [smem:$0x3FAE]  }
0x2b: {  	s6 =	sld [smem:$0x3FAF]  }
0x2c: {  	s7 =	sld [smem:$0x3FB0]  }
0x2d: {  	s3 =	simm.s32 $0x108;
	s8 =	sld [smem:$0x3FB1]  }
0x2e: {  	s3 =	simm.s32 @!p0 $0x1082;
	s9 =	sld [smem:$0x3FB2]  }
0x2f: {  	lr =	sadd.s32 s0, s3;
	s0 =	sld [smem:$0x3FA9]  }
0x30: {  	s3 =	sld [smem:$0x3FAC]  }
0x31: {  	[smem:$0x3FB5] =	sst s10  }
0x32: {  	s10 =	sld [smem:$0x3FB3];
	_ =	sdelay $0x3  }
0x33: {  	p0 =	seq.s32 s10, $0x1;
	s10 =	sld [smem:$0x3FB5];
	_ =	sdelay $0x3  }
0x34: {  	[smem:$0x3FB5] =	sst s10  }
0x35: {  	s10 =	sld [smem:$0x3FB4];
	_ =	sdelay $0x3  }
0x36: {  	p1 =	seq.s32 s10, $0x1;
	s10 =	sld [smem:$0x3FB5];
	_ =	sdelay $0x3  }
0x37: {  	[smem:$0x3FB5] =	sst s10  }
0x38: {  	s10 =	sld [smem:$0x3FB6]  }
0x39: {  	_ = 	snop;
	(pc) =	sbr.ind lr, $3  }
0x3a: {  	_ = 	snop  }
0x3b: {  	_ = 	snop  }
0x3c: {  	p2 =	seq.s32 s10, $0x1;
	s10 =	sld [smem:$0x3FB5]  }
0x3d: {  	_ =	shalt  }
0x3e: {  	_ =	shalt  }
0x3f: {  	_ =	shalt  }
0x40: {  	_ =	shalt  }
0x41: {  	_ =	shalt  }
0x42: {  	_ =	shalt  }
0x43: {  	_ =	shalt  }
0x44: {  	_ =	shalt  }
0x45: {  	_ =	shalt  }
0x46: {  	_ =	shalt  }
0x47: {  	_ =	shalt  }
0x48: {  	_ =	shalt  }
0x49: {  	_ =	shalt  }
0x4a: {  	_ =	shalt  }
0x4b: {  	_ =	shalt  }
0x4c: {  	_ =	shalt  }
0x4d: {  	_ =	shalt  }
0x4e: {  	_ =	shalt  }
0x4f: {  	_ =	shalt  }
0x50: {  	_ =	shalt  }
0x51: {  	_ =	shalt  }
0x52: {  	_ =	shalt  }
0x53: {  	_ =	shalt  }
0x54: {  	_ =	shalt  }
0x55: {  	_ =	shalt  }
0x56: {  	_ =	shalt  }
0x57: {  	_ =	shalt  }
0x58: {  	_ =	shalt  }
0x59: {  	_ =	shalt  }
0x5a: {  	_ =	shalt  }
0x5b: {  	_ =	shalt  }
0x5c: {  	_ =	shalt  }
0x5d: {  	_ =	shalt  }
0x5e: {  	_ =	shalt  }
0x5f: {  	_ =	shalt  }
0x60: {  	_ =	shalt  }
0x61: {  	_ =	shalt  }
0x62: {  	_ =	shalt  }
0x63: {  	_ =	shalt  }
0x64: {  	_ =	shalt  }
0x65: {  	_ =	shalt  }
0x66: {  	_ =	shalt  }
0x67: {  	_ =	shalt  }
0x68: {  	_ =	shalt  }
0x69: {  	_ =	shalt  }
0x6a: {  	_ =	shalt  }
0x6b: {  	_ =	shalt  }
0x6c: {  	_ =	shalt  }
0x6d: {  	_ =	shalt  }
0x6e: {  	_ =	shalt  }
0x6f: {  	_ =	shalt  }
0x70: {  	_ =	shalt  }
0x71: {  	_ =	shalt  }
0x72: {  	_ =	shalt  }
0x73: {  	_ =	shalt  }
0x74: {  	_ =	shalt  }
0x75: {  	_ =	shalt  }
0x76: {  	_ =	shalt  }
0x77: {  	_ =	shalt  }
0x78: {  	_ =	shalt  }
0x79: {  	_ =	shalt  }
0x7a: {  	_ =	shalt  }
0x7b: {  	_ =	shalt  }
0x7c: {  	_ =	shalt  }
0x7d: {  	_ =	shalt  }
0x7e: {  	_ =	shalt  }
0x7f: {  	_ =	shalt  }
0x80: {  	_ =	shalt  }
0x81: {  	_ =	shalt  }
0x82: {  	_ =	shalt  }
0x83: {  	_ =	shalt  }
0x84: {  	_ =	shalt  }
0x85: {  	_ =	shalt  }
0x86: {  	_ =	shalt  }
0x87: {  	_ =	shalt  }
.Lfunc_end0:
.L_simem_size_0:
called_computation_lowered:
.L_overlay_start_0:
0x88: {  	s2 =	sld [smem:$0x3FD9]  }
0x89: {  	s3 =	sld [smem:$0x3FFE];
	_ =	sdelay $0x1  }
0x8a: {  	s1 =	srdreg.scid  }
0x8b: {  	s0 =	sand.u32 $0x1, s1  }
0x8c: {  	s14 =	sshll.u32 s0, $0xA;
	s2 =	sadd.s32 s3, s2  }
0x8d: {  	s2 =	sadd.s32 s2, s14  }
0x8e: {  	[smem:$0x3FC1] =	sst s2  }
0x8f: {  	_ = 	snop  }
0x90: {  	s2 =	sld [smem:$0x3FC9]  }
0x91: {  	s15 =	sld [smem:$0x3FD0]  }
0x92: {  	s4 =	sld [smem:$0x3FC8]  }
0x93: {  	s5 =	sld [smem:$0x3FC5]  }
0x94: {  	s7 =	simm.s32 $0xA;
	s8 =	simm.s32 $0x10;
	s6 =	sld [smem:$0x3FC4]  }
0x95: {  	[smem:s8], [sflag:s7] =	dma.local [hbm:s15], $0x1  }
0x96: {  	_ =	swait.eq [sflag:s7], $0x1  }
0x97: {  	[sflag:s7] =	ssyncset.done $0x0  }
0x98: {  	s16 =	sld [smem:$0x10];
	[sflag:s7] =	ssyncadd.s32 $0xFFFFFFFF  }
0x99: {  	s17 =	sld [smem:$0x11];
	(tm) =	ssettm $0x1  }
0x9a: {  	s18 =	sld [smem:$0x3FFB];
	_ =	sdelay $0x3  }
0x9b: {  	_ =	strace s18  }
0x9c: {  	s8 =	sld [smem:$0x3FFC];
	_ =	sdelay $0x3  }
0x9d: {  	_ =	strace s8  }
0x9e: {  	s8 =	sld [smem:$0x3FFD];
	_ =	sdelay $0x3  }
0x9f: {  	_ =	strace s8  }
0xa0: {  	_ =	strace $0x8FFFFFFF  }
0xa1: {  	s19 =	sld [smem:$0x3FDB];
	_ =	sdelay $0x1  }
0xa2: {  	s9 =	simm.s32 $_scs_section_size  }
0xa3: {  	s10 =	simm.s32 $_size__tile_overlayer_lowered;
	s11 =	simm.s32 $_tile_overlayer_lowered  }
0xa4: {  	s22 =	simm.s32 $0x1BFF;
	s21 =	sshll.u32 s11, $0x1;
	s8 =	sadd.s32 s9, s19  }
0xa5: {  	s12 =	simm.s32 $0x0;
	s20 =	sshll.u32 s10, $0x1;
	s10 =	sadd.s32 s21, s8  }
0xa6: {  	[timem:s12], [sflag:s22] =	dma.local [hbm:s10], s20  }
0xa7: {  	_ =	swait.ge [sflag:s22], s20  }
0xa8: {  	s9 =	ssub.s32 $0x0, s20;
	[sflag:s22] =	ssyncset.done $0x0  }
0xa9: {  	[sflag:s22] =	ssyncadd.s32 s9;
	_ =	sdelay $0x1  }
0xaa: {  	s23 =	simm.s32 $0x1B8B  }
0xab: {  	_ =	swait.ge [sflag:s23], $0x1  }
0xac: {  	[sflag:s23] =	ssyncset.done $0x0  }
0xad: {  	s25 =	simm.s32 $0x1B8E;
	s24 =	sld [smem:$0x3FFE];
	[sflag:s23] =	ssyncadd.s32 $0xFFFFFFFF  }
0xae: {  	s26 =	simm.s32 $execute0_lowered;
	[smem:$0x3FD2] =	sst s25  }
0xaf: {  	s10 =	sshll.u32 s26, $0x1;
	_ =	strace $0x80000046;
	[dreg:$0x1] =	wrdreg $0xFFFFFFFF  }
0xb0: {  	s28 =	simm.s32 $_size_execute0_lowered;
	s8 =	sadd.s32 s8, s10;
	[dreg:$0x0] =	wrdreg $0x0  }
0xb1: {  	s10 =	sshll.u32 s28, $0x1;
	[dreg:$0x2] =	wrdreg s8  }
0xb2: {  	[dreg:$0x3] =	wrdreg s10  }
0xb3: {  	[dreg:$0x4] =	wrdreg $0xC0  }
0xb4: {  	_ =	task [dreg:s12], $0x5FFFF  }
0xb5: {  	[dreg:$0x1] =	wrdreg $0xFFFFFFFF  }
0xb6: {  	[dreg:$0x0] =	wrdreg $0x60  }
0xb7: {  	[dreg:$0x2] =	wrdreg s2  }
0xb8: {  	[dreg:$0x3] =	wrdreg s4  }
0xb9: {  	[dreg:$0x4] =	wrdreg s24  }
0xba: {  	[dreg:$0x5] =	wrdreg s5  }
0xbb: {  	[dreg:$0x6] =	wrdreg s6  }
0xbc: {  	[dreg:$0x7] =	wrdreg s16  }
0xbd: {  	[dreg:$0x8] =	wrdreg s17  }
0xbe: {  	[dreg:$0x9] =	wrdreg $0x9  }
0xbf: {  	_ =	task.clear_ibuf [dreg:s12], $0xAFFFF;
	_ =	strace $0x90000046  }
0xc0: {  	s29 =	simm.s32 $0x9;
	_ =	strace $0x80000048  }
0xc1: {  	_ =	swait.ge [sflag:s29], $0x1  }
0xc2: {  	[sflag:s29] =	ssyncadd.s32 $0xFFFFFFFF  }
0xc3: {  	_ =	strace $0x90000048  }
0xc4: {  	_ =	sfence  }
0xc5: {  	s30 =	sld [smem:$0x0];
	_ =	sdelay $0x2  }
0xc6: {  	s31 =	sshll.u32 s1, $0xD;
	s1 =	sshrl.u32 s1, $0x2  }
0xc7: {  	s3 =	sand.u32 $0x4000, s31;
	s1 =	sadd.s32 s1, s30  }
0xc8: {  	s0 =	sor.u32 s3, s0;
	s1 =	sshll.u32 s1, $0x11  }
0xc9: {  	s0 =	sor.u32 s1, s0  }
0xca: {  	s0 =	sadd.s32 $0x8F2B, s0  }
0xcb: {  	[sflag:s0] =	ssyncadd.remote.s32 $0x1  }
0xcc: {  	_ =	sfence.sel $0xFFFF  }
0xcd: {  	[dreg:$0x0] =	wrdreg $0xFFFFFFFF;
	(pc) =	sbr.abs _section_cstart, $3  }
0xce: {  	[dreg:$0x1] =	wrdreg $0xFFFFFFFF  }
0xcf: {  	_ =	task.clear_ibuf [dreg:s12], $0x2FFFF;
	_ =	strace $0x9FFFFFFF  }
0xd0: {  	(tm) =	ssettm $0x7FFFFFFF  }
0xd1: {  	_ =	shalt  }
tec
execute0_lowered:
.L_overlay_start_1:
0x0: {  	(tag) =	ssettag $0x1  }
0x1: {  	s8 =	rddreg [dreg:$0x0]  }
0x2: {  	s9 =	rddreg [dreg:$0x1]  }
0x3: {  	s7 =	rddreg [dreg:$0x2]  }
0x4: {  	s1 =	rddreg [dreg:$0x3]  }
0x5: {  	s2 =	rddreg [dreg:$0x4]  }
0x6: {  	s10 =	rddreg [dreg:$0x5]  }
0x7: {  	s11 =	rddreg [dreg:$0x6]  }
0x8: {  	s0 =	rddreg [dreg:$0x7];
	s3 =	simm.s32 $0x0;
	s12 =	srdreg.scid  }
0x9: {  	s4 =	stileid.u32;
	s16 =	simm.s32 $0x400;
	s17 =	simm.s32 $0x4400  }
0xa: {  	s18 =	simm.s32 $0x1;
	s19 =	simm.s32 $0x8810;
	s20 =	simm.s32 $0x8A10  }
0xb: {  	s21 =	simm.s32 $0x0;
	[smem:$0x7FF] =	sst s3;
	s5 =	sadd.s32 $0x1313600, s7  }
0xc: {  	s6 =	sadd.s32 $0xF42C00, s7;
	s12 =	sand.u32 $0x1, s12;
	s14 =	sshll.u32 s4, $0x7  }
0xd: {  	s7 =	sadd.s32 $0x800, s7;
	s13 =	ssub.s32 $0x2, s12;
	s12 =	sshll.u32 s12, $0x6  }
0xe: {  	_ =	strace $0x80000047;
	s15 =	sshrl.u32 s13, $0x1;
	s12 =	sor.u32 s12, s14  }
0xf: {  	s14 =	simm.s32 $0x200;
	s13 =	ssub.s32 s13, s15;
	s8 =	sadd.s32 s8, s12  }
0x10: {  	v0 =	vlaneseq.u32;
	s9 =	sadd.s32 s9, s12;
	s10 =	sadd.s32 s10, s12;
	s11 =	sadd.s32 s11, s12  }
0x11: {  	v0 =	vmul.u32 $0x20, v0;
	s15 =	simm.s32 $0x8800;
	s12 =	smax.u32 s13, $0x1;
	s13 =	simm.s32 $0x2  }
.LBB2_1:
0x12: {  	[tilespmem:s3], [sflag:$0x2] =	stream.linear.gather [hbm4b:s8+s3], $0x200, $0x38;
	[tilespmem:$0x8C10] =	vst v63  }
0x13: {  	_ =	swait.ge [sflag:s13], $0x200  }
0x14: {  	[sflag:s13] =	ssyncset.done $0x0  }
0x15: {  	[sflag:s13] =	ssyncadd.s32 $0xFFFFFE00  }
0x16: {  	[tilespmem:s14], [sflag:$0x2] =	stream.linear.gather [hbm4b:s9+s3], $0x200, $0x38;
	[tilespmem:$0x8C10] =	vst v63  }
0x17: {  	_ =	swait.ge [sflag:s13], $0x200  }
0x18: {  	[sflag:s13] =	ssyncset.done $0x0  }
0x19: {  	[sflag:s13] =	ssyncadd.s32 $0xFFFFFE00  }
0x1a: {  	[tilespmem:s15], [sflag:$0x2] =	stream.linear.gather [hbm4b:s7+s3], $0x10, $0x38;
	[tilespmem:$0x8C10] =	vst v63  }
0x1b: {  	_ =	swait.ge [sflag:s13], $0x10  }
0x1c: {  	[sflag:s13] =	ssyncset.done $0x0  }
0x1d: {  	[sflag:s13] =	ssyncadd.s32 $0xFFFFFFF0  }
0x1e: {  	[tilespmem:s16], [sflag:$0x1] =	stream.indirect.gather [hbm4b:s5+s14], $0x20, s3, s14, $0xb8;
	[tilespmem:$0x8C10] =	vst v63  }
0x1f: {  	_ = 	snop  }
0x20: {  	[tilespmem:s17], [sflag:$0x1] =	stream.indirect.gather [hbm4b:s6+s14], $0x20, s14, s14, $0xb8;
	[tilespmem:$0x8C10] =	vst v63  }
0x21: {  	s22 =	simm.s32 $0x8400  }
0x22: {  	[tilespmem:s22], [sflag:$0x1] =	stream.indirect.gather [hbm4b:s1+s14], $0x1, s3, s14, $0xb8;
	[tilespmem:$0x8C10] =	vst v63  }
0x23: {  	s23 =	simm.s32 $0x8600  }
0x24: {  	[tilespmem:s23], [sflag:$0x1] =	stream.indirect.gather [hbm4b:s2+s14], $0x1, s14, s14, $0xb8;
	[tilespmem:$0x8C10] =	vst v63  }
0x25: {  	_ =	swait.ge [sflag:s18], $0x4000  }
0x26: {  	[sflag:s18] =	ssyncset.done $0x0  }
0x27: {  	[sflag:s18] =	ssyncadd.s32 $0xFFFFC000  }
0x28: {  	_ =	swait.ge [sflag:s18], $0x4000  }
0x29: {  	[sflag:s18] =	ssyncset.done $0x0  }
0x2a: {  	[sflag:s18] =	ssyncadd.s32 $0xFFFFC000  }
0x2b: {  	_ =	swait.ge [sflag:s18], $0x200  }
0x2c: {  	[sflag:s18] =	ssyncset.done $0x0  }
0x2d: {  	v1 =	vmov s3;
	[sflag:s18] =	ssyncadd.s32 $0xFFFFFE00  }
0x2e: {  	v1 =	vshll.u32 v1, $0x5;
	_ =	swait.ge [sflag:s18], $0x200  }
0x2f: {  	v2 =	vor.u32 v0, v1;
	[sflag:s18] =	ssyncset.done $0x0  }
0x30: {  	[sflag:s18] =	ssyncadd.s32 $0xFFFFFE00  }
0x31: {  	v3 =	vor.u32 $0x1, v2;
	v1 =	vld [tilespmem:$0x8800]  }
0x32: {  	v4 =	vld [tilespmem:s23+$0x0]  }
0x33: {  	v5 =	vor.u32 $0x2, v2;
	v6 =	vld [tilespmem:s22+$0x0]  }
0x34: {  	v7 =	vld.idx.msk [tilespmem:v2+s16+$0x0], $0xffff  }
0x35: {  	v9 =	vor.u32 $0x3, v2;
	v8 =	vld.idx.msk [tilespmem:v2+s17+$0x0], $0xffff  }
0x36: {  	v10 =	vld.idx.msk [tilespmem:v3+s16+$0x0], $0xffff  }
0x37: {  	v11 =	vor.u32 $0x4, v2;
	v3 =	vld.idx.msk [tilespmem:v3+s17+$0x0], $0xffff  }
0x38: {  	v12 =	vld.idx.msk [tilespmem:v5+s16+$0x0], $0xffff;
	v4 =	vadd.f32 v4, v6  }
0x39: {  	v24 =	vor.u32 $0x5, v2;
	v5 =	vld.idx.msk [tilespmem:v5+s17+$0x0], $0xffff  }
0x3a: {  	v13 =	vld.idx.msk [tilespmem:v9+s16+$0x0], $0xffff;
	v7 =	vmul.f32 v8, v7;
	v4 =	vadd.f32 v4, v1  }
0x3b: {  	v26 =	vor.u32 $0x6, v2;
	v25 =	vld.idx.msk [tilespmem:v9+s17+$0x0], $0xffff  }
0x3c: {  	v14 =	vld.idx.msk [tilespmem:v11+s16+$0x0], $0xffff;
	v3 =	vmul.f32 v3, v10;
	v4 =	vadd.f32 v7, v4  }
0x3d: {  	v28 =	vor.u32 $0x7, v2;
	v27 =	vld.idx.msk [tilespmem:v11+s17+$0x0], $0xffff  }
0x3e: {  	v29 =	vld.idx.msk [tilespmem:v24+s16+$0x0], $0xffff;
	v30 =	vmul.f32 v5, v12;
	v3 =	vadd.f32 v3, v4  }
0x3f: {  	v32 =	vor.u32 $0x8, v2;
	v31 =	vld.idx.msk [tilespmem:v24+s17+$0x0], $0xffff  }
0x40: {  	v33 =	vld.idx.msk [tilespmem:v26+s16+$0x0], $0xffff;
	v34 =	vmul.f32 v25, v13;
	v3 =	vadd.f32 v30, v3  }
0x41: {  	v36 =	vor.u32 $0x9, v2;
	v35 =	vld.idx.msk [tilespmem:v26+s17+$0x0], $0xffff  }
0x42: {  	v37 =	vld.idx.msk [tilespmem:v28+s16+$0x0], $0xffff;
	v38 =	vmul.f32 v27, v14;
	v3 =	vadd.f32 v34, v3  }
0x43: {  	v40 =	vor.u32 $0xA, v2;
	v39 =	vld.idx.msk [tilespmem:v28+s17+$0x0], $0xffff  }
0x44: {  	v41 =	vld.idx.msk [tilespmem:v32+s16+$0x0], $0xffff;
	v42 =	vmul.f32 v31, v29;
	v3 =	vadd.f32 v38, v3  }
0x45: {  	v44 =	vor.u32 $0xB, v2;
	v43 =	vld.idx.msk [tilespmem:v32+s17+$0x0], $0xffff  }
0x46: {  	v45 =	vld.idx.msk [tilespmem:v36+s16+$0x0], $0xffff;
	v46 =	vmul.f32 v35, v33;
	v3 =	vadd.f32 v42, v3  }
0x47: {  	v48 =	vor.u32 $0xC, v2;
	v47 =	vld.idx.msk [tilespmem:v36+s17+$0x0], $0xffff  }
0x48: {  	v49 =	vld.idx.msk [tilespmem:v40+s16+$0x0], $0xffff;
	v50 =	vmul.f32 v39, v37;
	v3 =	vadd.f32 v46, v3  }
0x49: {  	v52 =	vor.u32 $0xD, v2;
	v51 =	vld.idx.msk [tilespmem:v40+s17+$0x0], $0xffff  }
0x4a: {  	v53 =	vld.idx.msk [tilespmem:v44+s16+$0x0], $0xffff;
	v54 =	vmul.f32 v43, v41;
	v3 =	vadd.f32 v50, v3  }
0x4b: {  	v56 =	vor.u32 $0xE, v2;
	v55 =	vld.idx.msk [tilespmem:v44+s17+$0x0], $0xffff  }
0x4c: {  	v57 =	vld.idx.msk [tilespmem:v48+s16+$0x0], $0xffff;
	v58 =	vmul.f32 v47, v45;
	v3 =	vadd.f32 v54, v3  }
0x4d: {  	v60 =	vor.u32 $0xF, v2;
	v59 =	vld.idx.msk [tilespmem:v48+s17+$0x0], $0xffff  }
0x4e: {  	v61 =	vld.idx.msk [tilespmem:v52+s16+$0x0], $0xffff;
	v62 =	vmul.f32 v51, v49;
	v3 =	vadd.f32 v58, v3  }
0x4f: {  	v16 =	vor.u32 $0x10, v2;
	v63 =	vld.idx.msk [tilespmem:v52+s17+$0x0], $0xffff  }
0x50: {  	v17 =	vld.idx.msk [tilespmem:v56+s16+$0x0], $0xffff;
	v18 =	vmul.f32 v55, v53;
	v3 =	vadd.f32 v62, v3  }
0x51: {  	v20 =	vor.u32 $0x11, v2;
	v19 =	vld.idx.msk [tilespmem:v56+s17+$0x0], $0xffff  }
0x52: {  	v21 =	vld.idx.msk [tilespmem:v60+s16+$0x0], $0xffff;
	v22 =	vmul.f32 v59, v57;
	v3 =	vadd.f32 v18, v3  }
0x53: {  	v23 =	vld.idx.msk [tilespmem:v60+s17+$0x0], $0xffff;
	v24 =	vor.u32 $0x12, v2  }
0x54: {  	v25 =	vld.idx.msk [tilespmem:v16+s16+$0x0], $0xffff;
	v26 =	vmul.f32 v63, v61;
	v3 =	vadd.f32 v22, v3  }
0x55: {  	v28 =	vor.u32 $0x13, v2;
	v27 =	vld.idx.msk [tilespmem:v16+s17+$0x0], $0xffff  }
0x56: {  	v29 =	vld.idx.msk [tilespmem:v20+s16+$0x0], $0xffff;
	v30 =	vmul.f32 v19, v17;
	v3 =	vadd.f32 v26, v3  }
0x57: {  	v32 =	vor.u32 $0x14, v2;
	v31 =	vld.idx.msk [tilespmem:v20+s17+$0x0], $0xffff  }
0x58: {  	v33 =	vld.idx.msk [tilespmem:v24+s16+$0x0], $0xffff;
	v34 =	vmul.f32 v23, v21;
	v3 =	vadd.f32 v30, v3  }
0x59: {  	v36 =	vor.u32 $0x15, v2;
	v35 =	vld.idx.msk [tilespmem:v24+s17+$0x0], $0xffff  }
0x5a: {  	v37 =	vld.idx.msk [tilespmem:v28+s16+$0x0], $0xffff;
	v38 =	vmul.f32 v27, v25;
	v3 =	vadd.f32 v34, v3  }
0x5b: {  	v40 =	vor.u32 $0x16, v2;
	v39 =	vld.idx.msk [tilespmem:v28+s17+$0x0], $0xffff  }
0x5c: {  	v41 =	vld.idx.msk [tilespmem:v32+s16+$0x0], $0xffff;
	v42 =	vmul.f32 v31, v29;
	v3 =	vadd.f32 v38, v3  }
0x5d: {  	v44 =	vor.u32 $0x17, v2;
	v43 =	vld.idx.msk [tilespmem:v32+s17+$0x0], $0xffff  }
0x5e: {  	v45 =	vld.idx.msk [tilespmem:v36+s16+$0x0], $0xffff;
	v46 =	vmul.f32 v35, v33;
	v3 =	vadd.f32 v42, v3  }
0x5f: {  	v48 =	vor.u32 $0x18, v2;
	v47 =	vld.idx.msk [tilespmem:v36+s17+$0x0], $0xffff  }
0x60: {  	v49 =	vld.idx.msk [tilespmem:v40+s16+$0x0], $0xffff;
	v50 =	vmul.f32 v39, v37;
	v3 =	vadd.f32 v46, v3  }
0x61: {  	v52 =	vor.u32 $0x19, v2;
	v51 =	vld.idx.msk [tilespmem:v40+s17+$0x0], $0xffff  }
0x62: {  	v53 =	vld.idx.msk [tilespmem:v44+s16+$0x0], $0xffff;
	v54 =	vmul.f32 v43, v41;
	v3 =	vadd.f32 v50, v3  }
0x63: {  	v56 =	vor.u32 $0x1A, v2;
	v55 =	vld.idx.msk [tilespmem:v44+s17+$0x0], $0xffff  }
0x64: {  	v57 =	vld.idx.msk [tilespmem:v48+s16+$0x0], $0xffff;
	v58 =	vmul.f32 v47, v45;
	v3 =	vadd.f32 v54, v3  }
0x65: {  	v60 =	vor.u32 $0x1B, v2;
	v59 =	vld.idx.msk [tilespmem:v48+s17+$0x0], $0xffff  }
0x66: {  	v61 =	vld.idx.msk [tilespmem:v52+s16+$0x0], $0xffff;
	v62 =	vmul.f32 v51, v49;
	v3 =	vadd.f32 v58, v3  }
0x67: {  	v63 =	vld.idx.msk [tilespmem:v52+s17+$0x0], $0xffff;
	v16 =	vor.u32 $0x1C, v2  }
0x68: {  	v17 =	vld.idx.msk [tilespmem:v56+s16+$0x0], $0xffff;
	v18 =	vmul.f32 v55, v53;
	v3 =	vadd.f32 v62, v3  }
0x69: {  	v20 =	vor.u32 $0x1D, v2;
	v19 =	vld.idx.msk [tilespmem:v56+s17+$0x0], $0xffff  }
0x6a: {  	v21 =	vld.idx.msk [tilespmem:v60+s16+$0x0], $0xffff;
	v22 =	vmul.f32 v59, v57;
	v3 =	vadd.f32 v18, v3  }
0x6b: {  	v24 =	vor.u32 $0x1E, v2;
	v23 =	vld.idx.msk [tilespmem:v60+s17+$0x0], $0xffff  }
0x6c: {  	v25 =	vld.idx.msk [tilespmem:v16+s16+$0x0], $0xffff;
	v26 =	vmul.f32 v63, v61;
	v3 =	vadd.f32 v22, v3  }
0x6d: {  	v2 =	vor.u32 $0x1F, v2;
	v27 =	vld.idx.msk [tilespmem:v16+s17+$0x0], $0xffff  }
0x6e: {  	v28 =	vld.idx.msk [tilespmem:v20+s16+$0x0], $0xffff;
	v29 =	vmul.f32 v19, v17;
	v3 =	vadd.f32 v26, v3  }
0x6f: {  	v30 =	vld.idx.msk [tilespmem:v20+s17+$0x0], $0xffff  }
0x70: {  	v31 =	vld.idx.msk [tilespmem:v24+s16+$0x0], $0xffff;
	v32 =	vmul.f32 v23, v21;
	v3 =	vadd.f32 v29, v3  }
0x71: {  	v33 =	vld.idx.msk [tilespmem:v24+s17+$0x0], $0xffff  }
0x72: {  	v35 =	vmul.f32 v27, v25;
	v34 =	vld.idx.msk [tilespmem:v2+s16+$0x0], $0xffff;
	v3 =	vadd.f32 v32, v3  }
0x73: {  	v2 =	vld.idx.msk [tilespmem:v2+s17+$0x0], $0xffff  }
0x74: {  	v36 =	vmul.f32 v30, v28;
	v3 =	vadd.f32 v35, v3;
	_ =	sdelay $0x1  }
0x75: {  	v37 =	vmul.f32 v33, v31;
	v3 =	vadd.f32 v36, v3;
	_ =	sdelay $0x1  }
0x76: {  	v2 =	vmul.f32 v2, v34;
	v3 =	vadd.f32 v37, v3;
	_ =	sdelay $0x1  }
0x77: {  	v3 =	vadd.f32 v2, v3;
	_ =	sdelay $0x1  }
0x78: {  	v2 =	vsub.f32 $0.0e+00, v3;
	_ =	sdelay $0x1  }
0x79: {  	v2 =	vmul.f32 $1.442695020e+00, v2;
	_ =	sdelay $0x1  }
0x7a: {  	(erf) = vpow2.f32 v2;
	_ =	sdelay $0x8  }
0x7b: {  	v2 =	vpop (erf)  }
0x7c: {  	v2 =	vadd.f32 $1.000000000e+00, v2;
	_ =	sdelay $0x1  }
0x7d: {  	(erf) = vrcp.f32 v2;
	_ =	sdelay $0x4  }
0x7e: {  	s31 =	simm.s32 $0x10  }
0x7f: {  	v2 =	vmov s31  }
0x80: {  	v2 =	vshll.u32 v2, $0x5  }
0x81: {  	v2 =	vor.u32 v0, v2  }
0x82: {  	[tilespmem:s19+$0x0] =	vst v3;
	v3 =	vpop (erf)  }
0x83: {  	s22 =	simm.s32 $0x8610;
	v38 =	vor.u32 $0x1, v2;
	[tilespmem:s20+$0x0] =	vst v3  }
0x84: {  	s23 =	simm.s32 $0x8410;
	v3 =	vld [tilespmem:s22+$0x0]  }
0x85: {  	v39 =	vor.u32 $0x2, v2;
	v40 =	vld [tilespmem:s23+$0x0]  }
0x86: {  	v41 =	vld.idx.msk [tilespmem:v2+s16+$0x0], $0xffff  }
0x87: {  	v43 =	vor.u32 $0x3, v2;
	v42 =	vld.idx.msk [tilespmem:v2+s17+$0x0], $0xffff  }
0x88: {  	v44 =	vld.idx.msk [tilespmem:v38+s16+$0x0], $0xffff  }
0x89: {  	v45 =	vor.u32 $0x4, v2;
	v4 =	vld.idx.msk [tilespmem:v38+s17+$0x0], $0xffff  }
0x8a: {  	v46 =	vld.idx.msk [tilespmem:v39+s16+$0x0], $0xffff;
	v3 =	vadd.f32 v3, v40  }
0x8b: {  	v47 =	vor.u32 $0x5, v2;
	v5 =	vld.idx.msk [tilespmem:v39+s17+$0x0], $0xffff  }
0x8c: {  	v48 =	vld.idx.msk [tilespmem:v43+s16+$0x0], $0xffff;
	v7 =	vmul.f32 v42, v41;
	v3 =	vadd.f32 v3, v1  }
0x8d: {  	v50 =	vor.u32 $0x6, v2;
	v49 =	vld.idx.msk [tilespmem:v43+s17+$0x0], $0xffff  }
0x8e: {  	v51 =	vld.idx.msk [tilespmem:v45+s16+$0x0], $0xffff;
	v4 =	vmul.f32 v4, v44;
	v3 =	vadd.f32 v7, v3  }
0x8f: {  	v53 =	vor.u32 $0x7, v2;
	v52 =	vld.idx.msk [tilespmem:v45+s17+$0x0], $0xffff  }
0x90: {  	v54 =	vld.idx.msk [tilespmem:v47+s16+$0x0], $0xffff;
	v55 =	vmul.f32 v5, v46;
	v3 =	vadd.f32 v4, v3  }
0x91: {  	v57 =	vor.u32 $0x8, v2;
	v56 =	vld.idx.msk [tilespmem:v47+s17+$0x0], $0xffff  }
0x92: {  	v58 =	vld.idx.msk [tilespmem:v50+s16+$0x0], $0xffff;
	v59 =	vmul.f32 v49, v48;
	v3 =	vadd.f32 v55, v3  }
0x93: {  	v61 =	vor.u32 $0x9, v2;
	v60 =	vld.idx.msk [tilespmem:v50+s17+$0x0], $0xffff  }
0x94: {  	v62 =	vld.idx.msk [tilespmem:v53+s16+$0x0], $0xffff;
	v63 =	vmul.f32 v52, v51;
	v3 =	vadd.f32 v59, v3  }
0x95: {  	v17 =	vor.u32 $0xA, v2;
	v16 =	vld.idx.msk [tilespmem:v53+s17+$0x0], $0xffff  }
0x96: {  	v18 =	vld.idx.msk [tilespmem:v57+s16+$0x0], $0xffff;
	v19 =	vmul.f32 v56, v54;
	v3 =	vadd.f32 v63, v3  }
0x97: {  	v21 =	vor.u32 $0xB, v2;
	v20 =	vld.idx.msk [tilespmem:v57+s17+$0x0], $0xffff  }
0x98: {  	v22 =	vld.idx.msk [tilespmem:v61+s16+$0x0], $0xffff;
	v23 =	vmul.f32 v60, v58;
	v3 =	vadd.f32 v19, v3  }
0x99: {  	v25 =	vor.u32 $0xC, v2;
	v24 =	vld.idx.msk [tilespmem:v61+s17+$0x0], $0xffff  }
0x9a: {  	v26 =	vld.idx.msk [tilespmem:v17+s16+$0x0], $0xffff;
	v27 =	vmul.f32 v16, v62;
	v3 =	vadd.f32 v23, v3  }
0x9b: {  	v29 =	vor.u32 $0xD, v2;
	v28 =	vld.idx.msk [tilespmem:v17+s17+$0x0], $0xffff  }
0x9c: {  	v30 =	vld.idx.msk [tilespmem:v21+s16+$0x0], $0xffff;
	v31 =	vmul.f32 v20, v18;
	v3 =	vadd.f32 v27, v3  }
0x9d: {  	v33 =	vor.u32 $0xE, v2;
	v32 =	vld.idx.msk [tilespmem:v21+s17+$0x0], $0xffff  }
0x9e: {  	v34 =	vld.idx.msk [tilespmem:v25+s16+$0x0], $0xffff;
	v35 =	vmul.f32 v24, v22;
	v3 =	vadd.f32 v31, v3  }
0x9f: {  	v37 =	vor.u32 $0xF, v2;
	v36 =	vld.idx.msk [tilespmem:v25+s17+$0x0], $0xffff  }
0xa0: {  	v38 =	vld.idx.msk [tilespmem:v29+s16+$0x0], $0xffff;
	v39 =	vmul.f32 v28, v26;
	v3 =	vadd.f32 v35, v3  }
0xa1: {  	v40 =	vld.idx.msk [tilespmem:v29+s17+$0x0], $0xffff;
	v41 =	vor.u32 $0x10, v2  }
0xa2: {  	v42 =	vld.idx.msk [tilespmem:v33+s16+$0x0], $0xffff;
	v43 =	vmul.f32 v32, v30;
	v3 =	vadd.f32 v39, v3  }
0xa3: {  	v45 =	vor.u32 $0x11, v2;
	v44 =	vld.idx.msk [tilespmem:v33+s17+$0x0], $0xffff  }
0xa4: {  	v46 =	vld.idx.msk [tilespmem:v37+s16+$0x0], $0xffff;
	v47 =	vmul.f32 v36, v34;
	v3 =	vadd.f32 v43, v3  }
0xa5: {  	v48 =	vld.idx.msk [tilespmem:v37+s17+$0x0], $0xffff;
	v49 =	vor.u32 $0x12, v2  }
0xa6: {  	v50 =	vld.idx.msk [tilespmem:v41+s16+$0x0], $0xffff;
	v51 =	vmul.f32 v40, v38;
	v3 =	vadd.f32 v47, v3  }
0xa7: {  	v53 =	vor.u32 $0x13, v2;
	v52 =	vld.idx.msk [tilespmem:v41+s17+$0x0], $0xffff  }
0xa8: {  	v54 =	vld.idx.msk [tilespmem:v45+s16+$0x0], $0xffff;
	v55 =	vmul.f32 v44, v42;
	v3 =	vadd.f32 v51, v3  }
0xa9: {  	v57 =	vor.u32 $0x14, v2;
	v56 =	vld.idx.msk [tilespmem:v45+s17+$0x0], $0xffff  }
0xaa: {  	v58 =	vld.idx.msk [tilespmem:v49+s16+$0x0], $0xffff;
	v59 =	vmul.f32 v48, v46;
	v3 =	vadd.f32 v55, v3  }
0xab: {  	v61 =	vor.u32 $0x15, v2;
	v60 =	vld.idx.msk [tilespmem:v49+s17+$0x0], $0xffff  }
0xac: {  	v62 =	vld.idx.msk [tilespmem:v53+s16+$0x0], $0xffff;
	v63 =	vmul.f32 v52, v50;
	v3 =	vadd.f32 v59, v3  }
0xad: {  	v17 =	vor.u32 $0x16, v2;
	v16 =	vld.idx.msk [tilespmem:v53+s17+$0x0], $0xffff  }
0xae: {  	v18 =	vld.idx.msk [tilespmem:v57+s16+$0x0], $0xffff;
	v19 =	vmul.f32 v56, v54;
	v3 =	vadd.f32 v63, v3  }
0xaf: {  	v21 =	vor.u32 $0x17, v2;
	v20 =	vld.idx.msk [tilespmem:v57+s17+$0x0], $0xffff  }
0xb0: {  	v22 =	vld.idx.msk [tilespmem:v61+s16+$0x0], $0xffff;
	v23 =	vmul.f32 v60, v58;
	v3 =	vadd.f32 v19, v3  }
0xb1: {  	v25 =	vor.u32 $0x18, v2;
	v24 =	vld.idx.msk [tilespmem:v61+s17+$0x0], $0xffff  }
0xb2: {  	v26 =	vld.idx.msk [tilespmem:v17+s16+$0x0], $0xffff;
	v27 =	vmul.f32 v16, v62;
	v3 =	vadd.f32 v23, v3  }
0xb3: {  	v28 =	vld.idx.msk [tilespmem:v17+s17+$0x0], $0xffff;
	v29 =	vor.u32 $0x19, v2  }
0xb4: {  	v30 =	vld.idx.msk [tilespmem:v21+s16+$0x0], $0xffff;
	v31 =	vmul.f32 v20, v18;
	v3 =	vadd.f32 v27, v3  }
0xb5: {  	v32 =	vld.idx.msk [tilespmem:v21+s17+$0x0], $0xffff;
	v33 =	vor.u32 $0x1A, v2  }
0xb6: {  	v34 =	vld.idx.msk [tilespmem:v25+s16+$0x0], $0xffff;
	v35 =	vmul.f32 v24, v22;
	v3 =	vadd.f32 v31, v3  }
0xb7: {  	v36 =	vld.idx.msk [tilespmem:v25+s17+$0x0], $0xffff;
	v37 =	vor.u32 $0x1B, v2  }
0xb8: {  	v38 =	vld.idx.msk [tilespmem:v29+s16+$0x0], $0xffff;
	v39 =	vmul.f32 v28, v26;
	v3 =	vadd.f32 v35, v3  }
0xb9: {  	v40 =	vld.idx.msk [tilespmem:v29+s17+$0x0], $0xffff;
	v41 =	vor.u32 $0x1C, v2  }
0xba: {  	v42 =	vld.idx.msk [tilespmem:v33+s16+$0x0], $0xffff;
	v43 =	vmul.f32 v32, v30;
	v3 =	vadd.f32 v39, v3  }
0xbb: {  	v45 =	vor.u32 $0x1D, v2;
	v44 =	vld.idx.msk [tilespmem:v33+s17+$0x0], $0xffff  }
0xbc: {  	v46 =	vld.idx.msk [tilespmem:v37+s16+$0x0], $0xffff;
	v47 =	vmul.f32 v36, v34;
	v3 =	vadd.f32 v43, v3  }
0xbd: {  	v49 =	vor.u32 $0x1E, v2;
	v48 =	vld.idx.msk [tilespmem:v37+s17+$0x0], $0xffff  }
0xbe: {  	v50 =	vld.idx.msk [tilespmem:v41+s16+$0x0], $0xffff;
	v51 =	vmul.f32 v40, v38;
	v3 =	vadd.f32 v47, v3  }
0xbf: {  	v2 =	vor.u32 $0x1F, v2;
	v52 =	vld.idx.msk [tilespmem:v41+s17+$0x0], $0xffff  }
0xc0: {  	v53 =	vld.idx.msk [tilespmem:v45+s16+$0x0], $0xffff;
	v54 =	vmul.f32 v44, v42;
	v3 =	vadd.f32 v51, v3  }
0xc1: {  	v55 =	vld.idx.msk [tilespmem:v45+s17+$0x0], $0xffff  }
0xc2: {  	v56 =	vld.idx.msk [tilespmem:v49+s16+$0x0], $0xffff;
	v57 =	vmul.f32 v48, v46;
	v3 =	vadd.f32 v54, v3  }
0xc3: {  	v58 =	vld.idx.msk [tilespmem:v49+s17+$0x0], $0xffff  }
0xc4: {  	v60 =	vmul.f32 v52, v50;
	v59 =	vld.idx.msk [tilespmem:v2+s16+$0x0], $0xffff;
	v3 =	vadd.f32 v57, v3  }
0xc5: {  	v2 =	vld.idx.msk [tilespmem:v2+s17+$0x0], $0xffff  }
0xc6: {  	v61 =	vmul.f32 v55, v53;
	v3 =	vadd.f32 v60, v3;
	_ =	sdelay $0x1  }
0xc7: {  	v62 =	vmul.f32 v58, v56;
	v3 =	vadd.f32 v61, v3;
	_ =	sdelay $0x1  }
0xc8: {  	v2 =	vmul.f32 v2, v59;
	v3 =	vadd.f32 v62, v3;
	_ =	sdelay $0x1  }
0xc9: {  	v2 =	vadd.f32 v2, v3;
	_ =	sdelay $0x1  }
0xca: {  	v3 =	vsub.f32 $0.0e+00, v2;
	_ =	sdelay $0x1  }
0xcb: {  	v3 =	vmul.f32 $1.442695020e+00, v3;
	_ =	sdelay $0x1  }
0xcc: {  	(erf) = vpow2.f32 v3;
	_ =	sdelay $0x8  }
0xcd: {  	v3 =	vpop (erf)  }
0xce: {  	v3 =	vadd.f32 $1.000000000e+00, v3;
	_ =	sdelay $0x1  }
0xcf: {  	(erf) = vrcp.f32 v3;
	_ =	sdelay $0x3  }
0xd0: {  	s24 =	simm.s32 $0x20  }
0xd1: {  	v63 =	vmov s24  }
0xd2: {  	s24 =	simm.s32 $0x8820;
	v4 =	vshll.u32 v63, $0x5  }
0xd3: {  	s26 =	simm.s32 $0x30;
	s25 =	simm.s32 $0x8A10;
	[tilespmem:s24+$0x0] =	vst v2;
	v2 =	vor.u32 v0, v4  }
.LBB2_2:
0xd4: {  	p0 =	sne.s32 s26, $0x1F0  }
0xd5: {  	s25 =	sadd.s32 $0x10, s25;
	v3 =	vpop (erf)  }
0xd6: {  	v4 =	vor.u32 $0x1, v2;
	[tilespmem:s25+$0x0] =	vst v3  }
0xd7: {  	s22 =	sadd.s32 $0x10, s22;
	v3 =	vld.idx.msk [tilespmem:v2+s16+$0x0], $0xffff  }
0xd8: {  	v6 =	vor.u32 $0x2, v2;
	s23 =	sadd.s32 $0x10, s23;
	v5 =	vld [tilespmem:s22+$0x0]  }
0xd9: {  	v7 =	vld [tilespmem:s23+$0x0]  }
0xda: {  	v9 =	vor.u32 $0x3, v2;
	v8 =	vld.idx.msk [tilespmem:v2+s17+$0x0], $0xffff  }
0xdb: {  	v10 =	vld.idx.msk [tilespmem:v4+s16+$0x0], $0xffff  }
0xdc: {  	v11 =	vor.u32 $0x4, v2;
	v4 =	vld.idx.msk [tilespmem:v4+s17+$0x0], $0xffff  }
0xdd: {  	v12 =	vld.idx.msk [tilespmem:v6+s16+$0x0], $0xffff  }
0xde: {  	v5 =	vadd.f32 v5, v7;
	v6 =	vld.idx.msk [tilespmem:v6+s17+$0x0], $0xffff;
	v7 =	vor.u32 $0x5, v2  }
0xdf: {  	v13 =	vld.idx.msk [tilespmem:v9+s16+$0x0], $0xffff  }
0xe0: {  	v3 =	vmul.f32 v8, v3;
	v5 =	vadd.f32 v5, v1;
	v8 =	vld.idx.msk [tilespmem:v9+s17+$0x0], $0xffff;
	v9 =	vor.u32 $0x6, v2  }
0xe1: {  	v14 =	vld.idx.msk [tilespmem:v11+s16+$0x0], $0xffff  }
0xe2: {  	v4 =	vmul.f32 v4, v10;
	v10 =	vor.u32 $0x7, v2;
	v3 =	vadd.f32 v3, v5;
	v5 =	vld.idx.msk [tilespmem:v11+s17+$0x0], $0xffff  }
0xe3: {  	v11 =	vld.idx.msk [tilespmem:v7+s16+$0x0], $0xffff  }
0xe4: {  	v3 =	vadd.f32 v4, v3;
	v4 =	vmul.f32 v6, v12;
	v6 =	vld.idx.msk [tilespmem:v7+s17+$0x0], $0xffff;
	v7 =	vor.u32 $0x8, v2  }
0xe5: {  	v12 =	vld.idx.msk [tilespmem:v9+s16+$0x0], $0xffff  }
0xe6: {  	v3 =	vadd.f32 v4, v3;
	v4 =	vmul.f32 v8, v13;
	v8 =	vld.idx.msk [tilespmem:v9+s17+$0x0], $0xffff;
	v9 =	vor.u32 $0x9, v2  }
0xe7: {  	v13 =	vld.idx.msk [tilespmem:v10+s16+$0x0], $0xffff  }
0xe8: {  	v3 =	vadd.f32 v4, v3;
	v4 =	vmul.f32 v5, v14;
	v5 =	vld.idx.msk [tilespmem:v10+s17+$0x0], $0xffff;
	v10 =	vor.u32 $0xA, v2  }
0xe9: {  	v14 =	vld.idx.msk [tilespmem:v7+s16+$0x0], $0xffff  }
0xea: {  	v3 =	vadd.f32 v4, v3;
	v4 =	vmul.f32 v6, v11;
	v6 =	vld.idx.msk [tilespmem:v7+s17+$0x0], $0xffff;
	v7 =	vor.u32 $0xB, v2  }
0xeb: {  	v11 =	vld.idx.msk [tilespmem:v9+s16+$0x0], $0xffff  }
0xec: {  	v3 =	vadd.f32 v4, v3;
	v4 =	vmul.f32 v8, v12;
	v8 =	vld.idx.msk [tilespmem:v9+s17+$0x0], $0xffff;
	v9 =	vor.u32 $0xC, v2  }
0xed: {  	v12 =	vld.idx.msk [tilespmem:v10+s16+$0x0], $0xffff  }
0xee: {  	v3 =	vadd.f32 v4, v3;
	v4 =	vmul.f32 v5, v13;
	v5 =	vld.idx.msk [tilespmem:v10+s17+$0x0], $0xffff;
	v10 =	vor.u32 $0xD, v2  }
0xef: {  	v13 =	vld.idx.msk [tilespmem:v7+s16+$0x0], $0xffff  }
0xf0: {  	v3 =	vadd.f32 v4, v3;
	v4 =	vmul.f32 v6, v14;
	v6 =	vld.idx.msk [tilespmem:v7+s17+$0x0], $0xffff;
	v7 =	vor.u32 $0xE, v2  }
0xf1: {  	v14 =	vld.idx.msk [tilespmem:v9+s16+$0x0], $0xffff  }
0xf2: {  	v3 =	vadd.f32 v4, v3;
	v4 =	vmul.f32 v8, v11;
	v8 =	vld.idx.msk [tilespmem:v9+s17+$0x0], $0xffff;
	v9 =	vor.u32 $0xF, v2  }
0xf3: {  	v11 =	vld.idx.msk [tilespmem:v10+s16+$0x0], $0xffff  }
0xf4: {  	v3 =	vadd.f32 v4, v3;
	v4 =	vmul.f32 v5, v12;
	v5 =	vld.idx.msk [tilespmem:v10+s17+$0x0], $0xffff;
	v10 =	vor.u32 $0x10, v2  }
0xf5: {  	v12 =	vld.idx.msk [tilespmem:v7+s16+$0x0], $0xffff  }
0xf6: {  	v3 =	vadd.f32 v4, v3;
	v4 =	vmul.f32 v6, v13;
	v6 =	vld.idx.msk [tilespmem:v7+s17+$0x0], $0xffff;
	v7 =	vor.u32 $0x11, v2  }
0xf7: {  	v13 =	vld.idx.msk [tilespmem:v9+s16+$0x0], $0xffff  }
0xf8: {  	v3 =	vadd.f32 v4, v3;
	v4 =	vmul.f32 v8, v14;
	v8 =	vld.idx.msk [tilespmem:v9+s17+$0x0], $0xffff;
	v9 =	vor.u32 $0x12, v2  }
0xf9: {  	v14 =	vld.idx.msk [tilespmem:v10+s16+$0x0], $0xffff  }
0xfa: {  	v3 =	vadd.f32 v4, v3;
	v4 =	vmul.f32 v5, v11;
	v5 =	vld.idx.msk [tilespmem:v10+s17+$0x0], $0xffff;
	v10 =	vor.u32 $0x13, v2  }
0xfb: {  	v11 =	vld.idx.msk [tilespmem:v7+s16+$0x0], $0xffff  }
0xfc: {  	v3 =	vadd.f32 v4, v3;
	v4 =	vmul.f32 v6, v12;
	v6 =	vld.idx.msk [tilespmem:v7+s17+$0x0], $0xffff;
	v7 =	vor.u32 $0x14, v2  }
0xfd: {  	v12 =	vld.idx.msk [tilespmem:v9+s16+$0x0], $0xffff  }
0xfe: {  	v3 =	vadd.f32 v4, v3;
	v4 =	vmul.f32 v8, v13;
	v8 =	vld.idx.msk [tilespmem:v9+s17+$0x0], $0xffff;
	v9 =	vor.u32 $0x15, v2  }
0xff: {  	v13 =	vld.idx.msk [tilespmem:v10+s16+$0x0], $0xffff  }
0x100: {  	v3 =	vadd.f32 v4, v3;
	v4 =	vmul.f32 v5, v14;
	v5 =	vld.idx.msk [tilespmem:v10+s17+$0x0], $0xffff;
	v10 =	vor.u32 $0x16, v2  }
0x101: {  	v14 =	vld.idx.msk [tilespmem:v7+s16+$0x0], $0xffff  }
0x102: {  	v3 =	vadd.f32 v4, v3;
	v4 =	vmul.f32 v6, v11;
	v6 =	vld.idx.msk [tilespmem:v7+s17+$0x0], $0xffff;
	v7 =	vor.u32 $0x17, v2  }
0x103: {  	v11 =	vld.idx.msk [tilespmem:v9+s16+$0x0], $0xffff  }
0x104: {  	v3 =	vadd.f32 v4, v3;
	v4 =	vmul.f32 v8, v12;
	v8 =	vld.idx.msk [tilespmem:v9+s17+$0x0], $0xffff;
	v9 =	vor.u32 $0x18, v2  }
0x105: {  	v12 =	vld.idx.msk [tilespmem:v10+s16+$0x0], $0xffff  }
0x106: {  	v3 =	vadd.f32 v4, v3;
	v4 =	vmul.f32 v5, v13;
	v5 =	vld.idx.msk [tilespmem:v10+s17+$0x0], $0xffff;
	v10 =	vor.u32 $0x19, v2  }
0x107: {  	v13 =	vld.idx.msk [tilespmem:v7+s16+$0x0], $0xffff  }
0x108: {  	v3 =	vadd.f32 v4, v3;
	v4 =	vmul.f32 v6, v14;
	v6 =	vld.idx.msk [tilespmem:v7+s17+$0x0], $0xffff;
	v7 =	vor.u32 $0x1A, v2  }
0x109: {  	v14 =	vld.idx.msk [tilespmem:v9+s16+$0x0], $0xffff  }
0x10a: {  	v3 =	vadd.f32 v4, v3;
	v4 =	vmul.f32 v8, v11;
	v8 =	vld.idx.msk [tilespmem:v9+s17+$0x0], $0xffff;
	v9 =	vor.u32 $0x1B, v2  }
0x10b: {  	v11 =	vld.idx.msk [tilespmem:v10+s16+$0x0], $0xffff  }
0x10c: {  	v3 =	vadd.f32 v4, v3;
	v4 =	vmul.f32 v5, v12;
	v5 =	vld.idx.msk [tilespmem:v10+s17+$0x0], $0xffff;
	v10 =	vor.u32 $0x1C, v2  }
0x10d: {  	v12 =	vld.idx.msk [tilespmem:v7+s16+$0x0], $0xffff  }
0x10e: {  	v3 =	vadd.f32 v4, v3;
	v4 =	vmul.f32 v6, v13;
	v6 =	vld.idx.msk [tilespmem:v7+s17+$0x0], $0xffff;
	v7 =	vor.u32 $0x1D, v2  }
0x10f: {  	v13 =	vld.idx.msk [tilespmem:v9+s16+$0x0], $0xffff  }
0x110: {  	v3 =	vadd.f32 v4, v3;
	v4 =	vmul.f32 v8, v14;
	v8 =	vld.idx.msk [tilespmem:v9+s17+$0x0], $0xffff;
	v9 =	vor.u32 $0x1E, v2  }
0x111: {  	v14 =	vld.idx.msk [tilespmem:v10+s16+$0x0], $0xffff  }
0x112: {  	v2 =	vor.u32 $0x1F, v2;
	v3 =	vadd.f32 v4, v3;
	v4 =	vmul.f32 v5, v11;
	v5 =	vld.idx.msk [tilespmem:v10+s17+$0x0], $0xffff  }
0x113: {  	v10 =	vld.idx.msk [tilespmem:v7+s16+$0x0], $0xffff  }
0x114: {  	v3 =	vadd.f32 v4, v3;
	v4 =	vmul.f32 v6, v12;
	v6 =	vld.idx.msk [tilespmem:v7+s17+$0x0], $0xffff  }
0x115: {  	v7 =	vld.idx.msk [tilespmem:v9+s16+$0x0], $0xffff  }
0x116: {  	v3 =	vadd.f32 v4, v3;
	v4 =	vmul.f32 v8, v13;
	v8 =	vld.idx.msk [tilespmem:v9+s17+$0x0], $0xffff  }
0x117: {  	v9 =	vld.idx.msk [tilespmem:v2+s16+$0x0], $0xffff  }
0x118: {  	v3 =	vadd.f32 v4, v3;
	v4 =	vmul.f32 v5, v14;
	v2 =	vld.idx.msk [tilespmem:v2+s17+$0x0], $0xffff;
	_ =	sdelay $0x1  }
0x119: {  	v3 =	vadd.f32 v4, v3;
	v4 =	vmul.f32 v6, v10;
	_ =	sdelay $0x1  }
0x11a: {  	v3 =	vadd.f32 v4, v3;
	v4 =	vmul.f32 v8, v7;
	_ =	sdelay $0x1  }
0x11b: {  	v2 =	vmul.f32 v2, v9;
	v3 =	vadd.f32 v4, v3;
	_ =	sdelay $0x1  }
0x11c: {  	v2 =	vadd.f32 v2, v3  }
0x11d: {  	s24 =	sadd.s32 $0x10, s24  }
0x11e: {  	[tilespmem:s24+$0x0] =	vst v2;
	v2 =	vsub.f32 $0.0e+00, v2;
	_ =	sdelay $0x1  }
0x11f: {  	v2 =	vmul.f32 $1.442695020e+00, v2;
	_ =	sdelay $0x1  }
0x120: {  	(erf) = vpow2.f32 v2;
	_ =	sdelay $0x8  }
0x121: {  	v2 =	vpop (erf)  }
0x122: {  	v2 =	vadd.f32 $1.000000000e+00, v2;
	_ =	sdelay $0x1  }
0x123: {  	(erf) = vrcp.f32 v2;
	_ =	sdelay $0x2  }
.Ltmp0:
0x124: {  	(pc) =	sbr.rel @p0 .LBB2_2-.Ltmp0, $4  }
0x125: {  	v2 =	vmov s26  }
0x126: {  	v2 =	vshll.u32 v2, $0x5  }
0x127: {  	v2 =	vor.u32 v0, v2  }
0x128: {  	s26 =	sadd.s32 $0x10, s26  }
0x129: {  	_ = 	snop  }
0x12a: {  	s25 =	sadd.s32 $0x10, s25;
	v3 =	vpop (erf)  }
0x12b: {  	v4 =	vor.u32 $0x1, v2;
	s22 =	sadd.s32 $0x10, s22;
	[tilespmem:s25+$0x0] =	vst v3  }
0x12c: {  	s29 =	sadd.s32 $0x10, s23;
	v3 =	vld [tilespmem:s22+$0x0]  }
0x12d: {  	v5 =	vor.u32 $0x2, v2;
	v6 =	vld [tilespmem:s29+$0x0]  }
0x12e: {  	v7 =	vld.idx.msk [tilespmem:v2+s16+$0x0], $0xffff  }
0x12f: {  	v9 =	vor.u32 $0x3, v2;
	v8 =	vld.idx.msk [tilespmem:v2+s17+$0x0], $0xffff  }
0x130: {  	v10 =	vld.idx.msk [tilespmem:v4+s16+$0x0], $0xffff  }
0x131: {  	v11 =	vor.u32 $0x4, v2;
	v4 =	vld.idx.msk [tilespmem:v4+s17+$0x0], $0xffff  }
0x132: {  	v12 =	vld.idx.msk [tilespmem:v5+s16+$0x0], $0xffff;
	v3 =	vadd.f32 v3, v6  }
0x133: {  	v30 =	vor.u32 $0x5, v2;
	v5 =	vld.idx.msk [tilespmem:v5+s17+$0x0], $0xffff  }
0x134: {  	v13 =	vld.idx.msk [tilespmem:v9+s16+$0x0], $0xffff;
	v1 =	vadd.f32 v3, v1;
	v3 =	vmul.f32 v8, v7  }
0x135: {  	v32 =	vor.u32 $0x6, v2;
	v31 =	vld.idx.msk [tilespmem:v9+s17+$0x0], $0xffff  }
0x136: {  	v33 =	vld.idx.msk [tilespmem:v11+s16+$0x0], $0xffff;
	v1 =	vadd.f32 v3, v1;
	v3 =	vmul.f32 v4, v10  }
0x137: {  	v35 =	vor.u32 $0x7, v2;
	v34 =	vld.idx.msk [tilespmem:v11+s17+$0x0], $0xffff  }
0x138: {  	v36 =	vld.idx.msk [tilespmem:v30+s16+$0x0], $0xffff;
	v1 =	vadd.f32 v3, v1;
	v3 =	vmul.f32 v5, v12  }
0x139: {  	v38 =	vor.u32 $0x8, v2;
	v37 =	vld.idx.msk [tilespmem:v30+s17+$0x0], $0xffff  }
0x13a: {  	v39 =	vld.idx.msk [tilespmem:v32+s16+$0x0], $0xffff;
	v1 =	vadd.f32 v3, v1;
	v3 =	vmul.f32 v31, v13  }
0x13b: {  	v41 =	vor.u32 $0x9, v2;
	v40 =	vld.idx.msk [tilespmem:v32+s17+$0x0], $0xffff  }
0x13c: {  	v42 =	vld.idx.msk [tilespmem:v35+s16+$0x0], $0xffff;
	v1 =	vadd.f32 v3, v1;
	v3 =	vmul.f32 v34, v33  }
0x13d: {  	v44 =	vor.u32 $0xA, v2;
	v43 =	vld.idx.msk [tilespmem:v35+s17+$0x0], $0xffff  }
0x13e: {  	v45 =	vld.idx.msk [tilespmem:v38+s16+$0x0], $0xffff;
	v1 =	vadd.f32 v3, v1;
	v3 =	vmul.f32 v37, v36  }
0x13f: {  	v47 =	vor.u32 $0xB, v2;
	v46 =	vld.idx.msk [tilespmem:v38+s17+$0x0], $0xffff  }
0x140: {  	v48 =	vld.idx.msk [tilespmem:v41+s16+$0x0], $0xffff;
	v1 =	vadd.f32 v3, v1;
	v3 =	vmul.f32 v40, v39  }
0x141: {  	v50 =	vor.u32 $0xC, v2;
	v49 =	vld.idx.msk [tilespmem:v41+s17+$0x0], $0xffff  }
0x142: {  	v51 =	vld.idx.msk [tilespmem:v44+s16+$0x0], $0xffff;
	v1 =	vadd.f32 v3, v1;
	v3 =	vmul.f32 v43, v42  }
0x143: {  	v53 =	vor.u32 $0xD, v2;
	v52 =	vld.idx.msk [tilespmem:v44+s17+$0x0], $0xffff  }
0x144: {  	v54 =	vld.idx.msk [tilespmem:v47+s16+$0x0], $0xffff;
	v1 =	vadd.f32 v3, v1;
	v3 =	vmul.f32 v46, v45  }
0x145: {  	v56 =	vor.u32 $0xE, v2;
	v55 =	vld.idx.msk [tilespmem:v47+s17+$0x0], $0xffff  }
0x146: {  	v57 =	vld.idx.msk [tilespmem:v50+s16+$0x0], $0xffff;
	v1 =	vadd.f32 v3, v1;
	v3 =	vmul.f32 v49, v48  }
0x147: {  	v59 =	vor.u32 $0xF, v2;
	v58 =	vld.idx.msk [tilespmem:v50+s17+$0x0], $0xffff  }
0x148: {  	v60 =	vld.idx.msk [tilespmem:v53+s16+$0x0], $0xffff;
	v1 =	vadd.f32 v3, v1;
	v3 =	vmul.f32 v52, v51  }
0x149: {  	v62 =	vor.u32 $0x10, v2;
	v61 =	vld.idx.msk [tilespmem:v53+s17+$0x0], $0xffff  }
0x14a: {  	v63 =	vld.idx.msk [tilespmem:v56+s16+$0x0], $0xffff;
	v1 =	vadd.f32 v3, v1;
	v3 =	vmul.f32 v55, v54  }
0x14b: {  	v17 =	vor.u32 $0x11, v2;
	v16 =	vld.idx.msk [tilespmem:v56+s17+$0x0], $0xffff  }
0x14c: {  	v18 =	vld.idx.msk [tilespmem:v59+s16+$0x0], $0xffff;
	v1 =	vadd.f32 v3, v1;
	v3 =	vmul.f32 v58, v57  }
0x14d: {  	v20 =	vor.u32 $0x12, v2;
	v19 =	vld.idx.msk [tilespmem:v59+s17+$0x0], $0xffff  }
0x14e: {  	v21 =	vld.idx.msk [tilespmem:v62+s16+$0x0], $0xffff;
	v1 =	vadd.f32 v3, v1;
	v3 =	vmul.f32 v61, v60  }
0x14f: {  	v23 =	vor.u32 $0x13, v2;
	v22 =	vld.idx.msk [tilespmem:v62+s17+$0x0], $0xffff  }
0x150: {  	v24 =	vld.idx.msk [tilespmem:v17+s16+$0x0], $0xffff;
	v1 =	vadd.f32 v3, v1;
	v3 =	vmul.f32 v16, v63  }
0x151: {  	v26 =	vor.u32 $0x14, v2;
	v25 =	vld.idx.msk [tilespmem:v17+s17+$0x0], $0xffff  }
0x152: {  	v27 =	vld.idx.msk [tilespmem:v20+s16+$0x0], $0xffff;
	v1 =	vadd.f32 v3, v1;
	v3 =	vmul.f32 v19, v18  }
0x153: {  	v29 =	vor.u32 $0x15, v2;
	v28 =	vld.idx.msk [tilespmem:v20+s17+$0x0], $0xffff  }
0x154: {  	v30 =	vld.idx.msk [tilespmem:v23+s16+$0x0], $0xffff;
	v1 =	vadd.f32 v3, v1;
	v3 =	vmul.f32 v22, v21  }
0x155: {  	v32 =	vor.u32 $0x16, v2;
	v31 =	vld.idx.msk [tilespmem:v23+s17+$0x0], $0xffff  }
0x156: {  	v33 =	vld.idx.msk [tilespmem:v26+s16+$0x0], $0xffff;
	v1 =	vadd.f32 v3, v1;
	v3 =	vmul.f32 v25, v24  }
0x157: {  	v35 =	vor.u32 $0x17, v2;
	v34 =	vld.idx.msk [tilespmem:v26+s17+$0x0], $0xffff  }
0x158: {  	v36 =	vld.idx.msk [tilespmem:v29+s16+$0x0], $0xffff;
	v1 =	vadd.f32 v3, v1;
	v3 =	vmul.f32 v28, v27  }
0x159: {  	v38 =	vor.u32 $0x18, v2;
	v37 =	vld.idx.msk [tilespmem:v29+s17+$0x0], $0xffff  }
0x15a: {  	v39 =	vld.idx.msk [tilespmem:v32+s16+$0x0], $0xffff;
	v1 =	vadd.f32 v3, v1;
	v3 =	vmul.f32 v31, v30  }
0x15b: {  	v41 =	vor.u32 $0x19, v2;
	v40 =	vld.idx.msk [tilespmem:v32+s17+$0x0], $0xffff  }
0x15c: {  	v42 =	vld.idx.msk [tilespmem:v35+s16+$0x0], $0xffff;
	v1 =	vadd.f32 v3, v1;
	v3 =	vmul.f32 v34, v33  }
0x15d: {  	v44 =	vor.u32 $0x1A, v2;
	v43 =	vld.idx.msk [tilespmem:v35+s17+$0x0], $0xffff  }
0x15e: {  	v45 =	vld.idx.msk [tilespmem:v38+s16+$0x0], $0xffff;
	v1 =	vadd.f32 v3, v1;
	v3 =	vmul.f32 v37, v36  }
0x15f: {  	v47 =	vor.u32 $0x1B, v2;
	v46 =	vld.idx.msk [tilespmem:v38+s17+$0x0], $0xffff  }
0x160: {  	v48 =	vld.idx.msk [tilespmem:v41+s16+$0x0], $0xffff;
	v1 =	vadd.f32 v3, v1;
	v3 =	vmul.f32 v40, v39  }
0x161: {  	v50 =	vor.u32 $0x1C, v2;
	v49 =	vld.idx.msk [tilespmem:v41+s17+$0x0], $0xffff  }
0x162: {  	v51 =	vld.idx.msk [tilespmem:v44+s16+$0x0], $0xffff;
	v1 =	vadd.f32 v3, v1;
	v3 =	vmul.f32 v43, v42  }
0x163: {  	v53 =	vor.u32 $0x1D, v2;
	v52 =	vld.idx.msk [tilespmem:v44+s17+$0x0], $0xffff  }
0x164: {  	v54 =	vld.idx.msk [tilespmem:v47+s16+$0x0], $0xffff;
	v1 =	vadd.f32 v3, v1;
	v3 =	vmul.f32 v46, v45  }
0x165: {  	v56 =	vor.u32 $0x1E, v2;
	v55 =	vld.idx.msk [tilespmem:v47+s17+$0x0], $0xffff  }
0x166: {  	v57 =	vld.idx.msk [tilespmem:v50+s16+$0x0], $0xffff;
	v1 =	vadd.f32 v3, v1;
	v3 =	vmul.f32 v49, v48  }
0x167: {  	v2 =	vor.u32 $0x1F, v2;
	v58 =	vld.idx.msk [tilespmem:v50+s17+$0x0], $0xffff  }
0x168: {  	v59 =	vld.idx.msk [tilespmem:v53+s16+$0x0], $0xffff;
	v1 =	vadd.f32 v3, v1;
	v3 =	vmul.f32 v52, v51  }
0x169: {  	v60 =	vld.idx.msk [tilespmem:v53+s17+$0x0], $0xffff  }
0x16a: {  	v62 =	vld.idx.msk [tilespmem:v56+s17+$0x0], $0xffff;
	v1 =	vadd.f32 v3, v1;
	v3 =	vmul.f32 v55, v54  }
0x16b: {  	v61 =	vld.idx.msk [tilespmem:v56+s16+$0x0], $0xffff  }
0x16c: {  	v63 =	vld.idx.msk [tilespmem:v2+s16+$0x0], $0xffff;
	v1 =	vadd.f32 v3, v1;
	v3 =	vmul.f32 v58, v57  }
0x16d: {  	v2 =	vld.idx.msk [tilespmem:v2+s17+$0x0], $0xffff  }
0x16e: {  	v1 =	vadd.f32 v3, v1;
	v3 =	vmul.f32 v60, v59;
	_ =	sdelay $0x1  }
0x16f: {  	v1 =	vadd.f32 v3, v1;
	v3 =	vmul.f32 v62, v61;
	_ =	sdelay $0x1  }
0x170: {  	v2 =	vmul.f32 v2, v63;
	v1 =	vadd.f32 v3, v1;
	_ =	sdelay $0x1  }
0x171: {  	v1 =	vadd.f32 v2, v1;
	_ =	sdelay $0x1  }
0x172: {  	v2 =	vsub.f32 $0.0e+00, v1;
	_ =	sdelay $0x1  }
0x173: {  	v2 =	vmul.f32 $1.442695020e+00, v2;
	_ =	sdelay $0x1  }
0x174: {  	(erf) = vpow2.f32 v2;
	_ =	sdelay $0x8  }
0x175: {  	v2 =	vpop (erf)  }
0x176: {  	v2 =	vadd.f32 $1.000000000e+00, v2;
	_ =	sdelay $0x1  }
0x177: {  	(erf) = vrcp.f32 v2;
	_ =	sdelay $0x7  }
0x178: {  	s30 =	sadd.s32 $0x10, s24  }
0x179: {  	s31 =	sadd.s32 $0x10, s25;
	[tilespmem:s30+$0x0] =	vst v1;
	v1 =	vpop (erf)  }
0x17a: {  	[tilespmem:s31+$0x0] =	vst v1  }
0x17b: {  	[hbm4b:s10+s3] =	stream.linear.scatter [tilespmem:s19], [sflag:$0x2], $0x200, $0x38;
	[tilespmem:$0x8C10] =	vst v63  }
0x17c: {  	s21 =	sadd.s32 $0x1, s21;
	_ =	swait.ge [sflag:s13], $0x200  }
0x17d: {  	p0 =	sne.s32 s21, s12;
	[sflag:s13] =	ssyncset.done $0x0  }
.Ltmp1:
0x17e: {  	[sflag:s13] =	ssyncadd.s32 $0xFFFFFE00;
	(pc) =	sbr.rel @p0 .LBB2_1-.Ltmp1, $4  }
0x17f: {  	[hbm4b:s11+s3] =	stream.linear.scatter [tilespmem:s20], [sflag:$0x2], $0x200, $0x38;
	[tilespmem:$0x8C10] =	vst v63  }
0x180: {  	_ =	swait.ge [sflag:s13], $0x200  }
0x181: {  	[sflag:s13] =	ssyncset.done $0x0  }
0x182: {  	[sflag:s13] =	ssyncadd.s32 $0xFFFFFE00  }
0x183: {  	_ =	sfence.sel $0x180000  }
0x184: {  	[bflag:$0x0] =	sbarrier.arrive $0xFFFF  }
0x185: {  	p0 =	sne.s32 s4, $0x0;
	_ =	strace $0x90000047  }
0x186: {  	s0 =	sadd.s32 @!p0 $0x100000, s0;
	[bflag:$0x2] =	sbarrier.arrive $0xFFFF  }
0x187: {  	[sflag:s0] =	ssyncadd.tile.s32 @!p0 $0x1;
	_ =	shalt  }
.Lfunc_end2:
_tile_overlayer_lowered:
.L_overlay_start_2:
0x188: {  	(tag) =	ssettag $0x2  }
0x189: {  	s0 =	rddreg [dreg:$0x0];
	s2 =	stileid.u32  }
0x18a: {  	s1 =	rddreg [dreg:$0x1];
	p0 =	sne.s32 s2, $0x0  }
0x18b: {  	s3 =	rddreg [dreg:$0x2];
	[bflag:$0x3] =	sbarrier.arrive $0xFFFF;
	s2 =	simm.s32 @!p0 $0x1C02  }
0x18c: {  	[timem:s3], [sflag:s2] =	dma.local @!p0 [hbm:s0], s1  }
0x18d: {  	s0 =	simm.s32 @!p0 $0x2  }
0x18e: {  	_ =	swait.ge @!p0 [sflag:s0], s1  }
0x18f: {  	s1 =	ssub.s32 @!p0 $0x0, s1;
	[sflag:s0] =	ssyncset.done @!p0 $0x0  }
0x190: {  	[sflag:s0] =	ssyncadd.s32 @!p0 s1  }
0x191: {  	[bflag:$0x3] =	sbarrier.arrive $0xFFFF  }
0x192: {  	_ =	shalt  }

</sc_bundles>
